<compile_context>
chip_gen: v7x
topology: tpu7x:2x2x1
jax: 0.10.2.dev20260603
libtpu: 0.0.44.dev20260713+nightly
codegen_flags: <defaults>
</compile_context>

<pallas_src>
import functools

import jax
import jax.numpy as jnp
from jax import lax
from jax.experimental import pallas as pl
from jax.experimental.pallas import tpu as pltpu, tpu_sc as plsc

NC = 2
NS = 16
NW = NC * NS

MAXLEN = 200
EMBED = 64
CB = 128


def _tok_pos_kernel(x_hbm, pos_hbm, tok_hbm, out_hbm,
                    idx_v, gbuf0, gbuf1, sbuf0, sbuf1, pos_v,
                    gsem0, gsem1, osem0, osem1):
    wid = lax.axis_index("s") * NC + lax.axis_index("c")

    pltpu.sync_copy(x_hbm.at[:, wid], idx_v)
    pltpu.sync_copy(pos_hbm, pos_v)

    gbufs = (gbuf0, gbuf1)
    sbufs = (sbuf0, sbuf1)
    gsem = (gsem0, gsem1)
    osem = (osem0, osem1)

    ehi = [lax.iota(jnp.int32, 16) // 8 + 2 * j for j in range(EMBED // 16)]
    elo = [lax.iota(jnp.int32, 16) % 8 for j in range(EMBED // 16)]

    def fire_gather(l, buf, sem):
        return pltpu.async_copy(
            tok_hbm.at[idx_v.at[l // 8, l % 8]], buf, sem)

    def transpose_add_flush(l, gbuf, sbuf, sem):
        pvecs = [pos_v[l, pl.ds(j * 16, 16)] for j in range(EMBED // 16)]
        @plsc.parallel_loop(0, CB, unroll=4)
        def row(t):
            tv = jnp.full((16,), t, jnp.int32)
            for j in range(EMBED // 16):
                vals = gbuf[t, pl.ds(j * 16, 16)] + pvecs[j]
                plsc.store_scatter(sbuf, [ehi[j], elo[j], tv], vals)
        pltpu.async_copy(sbuf, out_hbm.at[l, :, wid], sem)

    def half(cc, par):
        l = cc * 2 + par

        @pl.when(cc >= 1)
        def _():
            pltpu.make_async_copy(
                sbufs[par], out_hbm.at[0, :, wid], osem[par]).wait()

        g = fire_gather(l, gbufs[par], gsem[par])

        @pl.when(l >= 1)
        def _():
            transpose_add_flush(l - 1, gbufs[1 - par], sbufs[1 - par],
                                osem[1 - par])

        g.wait()

    def body(cc, _):
        half(cc, 0)
        half(cc, 1)
        return ()

    lax.fori_loop(0, MAXLEN // 2, body, ())

    last = MAXLEN - 1
    transpose_add_flush(last, gbufs[last % 2], sbufs[last % 2], osem[last % 2])
    for par in range(2):
        pltpu.make_async_copy(
            sbufs[par], out_hbm.at[0, :, wid], osem[par]).wait()


def kernel(x, tok_table, pos_table):
    B, L = x.shape
    V, E = tok_table.shape
    assert E == EMBED and L == MAXLEN and B == NW * CB

    x4 = x.T.reshape(L // 8, 8, B // 128, 128).transpose(0, 2, 1, 3)

    fn = pl.kernel(
        _tok_pos_kernel,
        out_type=jax.ShapeDtypeStruct((L, E // 8, B // 128, 8, 128),
                                      jnp.float32),
        mesh=plsc.VectorSubcoreMesh(core_axis_name="c", subcore_axis_name="s"),
        scratch_types=[
            pltpu.VMEM((L // 8, 8, CB), jnp.int32),
            pltpu.VMEM((CB, EMBED), jnp.float32),
            pltpu.VMEM((CB, EMBED), jnp.float32),
            pltpu.VMEM((E // 8, 8, CB), jnp.float32),
            pltpu.VMEM((E // 8, 8, CB), jnp.float32),
            pltpu.VMEM((L, EMBED), jnp.float32),
            pltpu.SemaphoreType.DMA,
            pltpu.SemaphoreType.DMA,
            pltpu.SemaphoreType.DMA,
            pltpu.SemaphoreType.DMA,
        ],
        compiler_params=pltpu.CompilerParams(use_tc_tiling_on_sc=False,
                                             needs_layout_passes=False),
    )
    out5 = fn(x4, pos_table, tok_table)
    return out5.transpose(2, 4, 0, 1, 3).reshape(B, L, E)

# --- scband reference (transcript-rebuilt; emitter-appended) ---
"""Pipeline reference for scband-token-and-position-embedding-4346506904052 (READ-ONLY COPY).

The authoritative reference and input builder live on the scoring server;
editing this copy changes nothing except your own understanding.
"""

import jax, jax.numpy as jnp
import numpy as np

MAXLEN = 200
VOCAB = 1000000
EMBED = 64
BATCH = 4096
SEQ = 200


def setup_inputs(seed: int = 0) -> dict:
    key = jax.random.key(seed)
    k1, k2, k3 = jax.random.split(key, 3)
    x = jax.random.randint(k1, (BATCH, SEQ), 0, VOCAB, dtype=jnp.int32)
    tok_table = jax.random.normal(k2, (VOCAB, EMBED), dtype=jnp.float32) * 0.05
    pos_table = jax.random.normal(k3, (MAXLEN, EMBED), dtype=jnp.float32) * 0.05
    return {"x": x, "tok_table": tok_table, "pos_table": pos_table}


def reference(x, tok_table, pos_table):
    # token embedding lookup: gather rows of tok_table
    tok = jnp.take(tok_table, x, axis=0)  # [B, L, E]
    # positional embedding over the sequence axis (intended semantics of the
    # original Keras layer: positions = range(seq_len), looked up in pos_emb)
    seq_len = x.shape[-1]
    positions = jnp.arange(seq_len)
    pos = jnp.take(pos_table, positions, axis=0)  # [L, E]
    return tok + pos[None, :, :]

if __name__ == "__main__":
    import jax
    _d = setup_inputs()
    print(jax.jit(kernel)(*tuple(_d.values())))

</pallas_src>

<mosaic_0001>
#map = affine_map<(d0, d1) -> (0, 0, 0, 0)>
#map1 = affine_map<(d0, d1) -> (0, 0)>
#map2 = affine_map<(d0, d1) -> (0, 0, 0, 0, 0)>
module attributes {stable_mosaic.version = 14 : i64} {
  func.func @_tok_pos_kernel(%arg0: i32, %arg1: i32, %arg2: memref<25x32x8x128xi32, #tpu.memory_space<hbm>>, %arg3: memref<200x64xf32, #tpu.memory_space<hbm>>, %arg4: memref<1000000x64xf32, #tpu.memory_space<hbm>>, %arg5: memref<200x8x32x8x128xf32, #tpu.memory_space<hbm>>, %arg6: memref<25x8x128xi32, #tpu.memory_space<vmem>>, %arg7: memref<128x64xf32, #tpu.memory_space<vmem>>, %arg8: memref<128x64xf32, #tpu.memory_space<vmem>>, %arg9: memref<8x8x128xf32, #tpu.memory_space<vmem>>, %arg10: memref<8x8x128xf32, #tpu.memory_space<vmem>>, %arg11: memref<200x64xf32, #tpu.memory_space<vmem>>, %arg12: memref<!tpu.dma_semaphore, #tpu.memory_space<semaphore_mem>>, %arg13: memref<!tpu.dma_semaphore, #tpu.memory_space<semaphore_mem>>, %arg14: memref<!tpu.dma_semaphore, #tpu.memory_space<semaphore_mem>>, %arg15: memref<!tpu.dma_semaphore, #tpu.memory_space<semaphore_mem>>) attributes {dimension_semantics = [#tpu.dimension_semantics<core_parallel>, #tpu.dimension_semantics<subcore_parallel>], iteration_bounds = array<i64: 2, 16>, scalar_prefetch = 0 : i64, scratch_operands = 10 : i64, tpu.core_type = #tpu.core_type<sc_vector_subcore>, window_params = [{transform_indices = #map}, {transform_indices = #map1}, {transform_indices = #map1}, {transform_indices = #map2}]} {
    %mul3A = arith.constant 2 : i32
    %mul3A_0 = arith.muli %arg1, %mul3A : i32
    %add3A = arith.addi %mul3A_0, %arg0 : i32
    "tpu.region"() ({
      %run_scoped3A = tpu.sem_alloc : memref<!tpu.dma_semaphore, #tpu.memory_space<semaphore_mem>>
      %dma_start3A_274 = arith.constant 0 : i32
      %dma_start3A_275 = arith.constant 0 : i32
      %dma_start3A_276 = arith.constant 0 : i32
      %dma_start3A_277 = tpu.memref_slice %arg2[%dma_start3A_274, %add3A, %dma_start3A_275, %dma_start3A_276] : memref<25x32x8x128xi32, #tpu.memory_space<hbm>> -> memref<25x1x8x128xi32, #tpu.memory_space<hbm>>
      %dma_start3A_278 = tpu.memref_squeeze %dma_start3A_277 : memref<25x1x8x128xi32, #tpu.memory_space<hbm>> -> memref<25x8x128xi32, #tpu.memory_space<hbm>>
      %dma_start3A_279 = arith.constant 0 : i32
      %dma_start3A_280 = arith.constant 0 : i32
      %dma_start3A_281 = arith.constant 0 : i32
      %dma_start3A_282 = tpu.memref_slice %arg2[%dma_start3A_279, %add3A, %dma_start3A_280, %dma_start3A_281] : memref<25x32x8x128xi32, #tpu.memory_space<hbm>> -> memref<25x1x8x128xi32, #tpu.memory_space<hbm>>
      %dma_start3A_283 = tpu.memref_squeeze %dma_start3A_282 : memref<25x1x8x128xi32, #tpu.memory_space<hbm>> -> memref<25x8x128xi32, #tpu.memory_space<hbm>>
      tpu.enqueue_dma source(%dma_start3A_283 : memref<25x8x128xi32, #tpu.memory_space<hbm>>) target(%arg6 : memref<25x8x128xi32, #tpu.memory_space<vmem>>) target_semaphore(%run_scoped3A : memref<!tpu.dma_semaphore, #tpu.memory_space<semaphore_mem>>)
      %dma_wait3A_284 = arith.constant 0 : i32
      %dma_wait3A_285 = arith.constant 0 : i32
      %dma_wait3A_286 = arith.constant 0 : i32
      %dma_wait3A_287 = tpu.memref_slice %arg2[%dma_wait3A_284, %add3A, %dma_wait3A_285, %dma_wait3A_286] : memref<25x32x8x128xi32, #tpu.memory_space<hbm>> -> memref<25x1x8x128xi32, #tpu.memory_space<hbm>>
      %dma_wait3A_288 = tpu.memref_squeeze %dma_wait3A_287 : memref<25x1x8x128xi32, #tpu.memory_space<hbm>> -> memref<25x8x128xi32, #tpu.memory_space<hbm>>
      %dma_wait3A_289 = arith.constant 0 : i32
      %dma_wait3A_290 = arith.constant 0 : i32
      %dma_wait3A_291 = arith.constant 0 : i32
      %dma_wait3A_292 = tpu.memref_slice %arg2[%dma_wait3A_289, %add3A, %dma_wait3A_290, %dma_wait3A_291] : memref<25x32x8x128xi32, #tpu.memory_space<hbm>> -> memref<25x1x8x128xi32, #tpu.memory_space<hbm>>
      %dma_wait3A_293 = tpu.memref_squeeze %dma_wait3A_292 : memref<25x1x8x128xi32, #tpu.memory_space<hbm>> -> memref<25x8x128xi32, #tpu.memory_space<hbm>>
      tpu.wait_dma2 semaphore(%run_scoped3A : memref<!tpu.dma_semaphore, #tpu.memory_space<semaphore_mem>>) src(%dma_wait3A_293 : memref<25x8x128xi32, #tpu.memory_space<hbm>>) dst(%arg6 : memref<25x8x128xi32, #tpu.memory_space<vmem>>)
      tpu.yield
    }) : () -> ()
    "tpu.region"() ({
      %run_scoped3A = tpu.sem_alloc : memref<!tpu.dma_semaphore, #tpu.memory_space<semaphore_mem>>
      tpu.enqueue_dma source(%arg3 : memref<200x64xf32, #tpu.memory_space<hbm>>) target(%arg11 : memref<200x64xf32, #tpu.memory_space<vmem>>) target_semaphore(%run_scoped3A : memref<!tpu.dma_semaphore, #tpu.memory_space<semaphore_mem>>)
      tpu.wait_dma2 semaphore(%run_scoped3A : memref<!tpu.dma_semaphore, #tpu.memory_space<semaphore_mem>>) src(%arg3 : memref<200x64xf32, #tpu.memory_space<hbm>>) dst(%arg11 : memref<200x64xf32, #tpu.memory_space<vmem>>)
      tpu.yield
    }) : () -> ()
    %iota3A = tpu.iota {dimensions = array<i32: 0>} : vector<16xi32>
    %jit3A = arith.constant 8 : i32
    %div3A = vector.broadcast %jit3A : i32 to vector<16xi32>
    %div3A_1 = arith.divsi %iota3A, %div3A : vector<16xi32>
    %sign3A = arith.constant 0 : i32
    %sign3A_2 = vector.broadcast %sign3A : i32 to vector<16xi32>
    %sign3A_3 = arith.cmpi sgt, %iota3A, %sign3A_2 : vector<16xi32>
    %sign3A_4 = arith.extui %sign3A_3 : vector<16xi1> to vector<16xi32>
    %sign3A_5 = arith.constant 0 : i32
    %sign3A_6 = vector.broadcast %sign3A_5 : i32 to vector<16xi32>
    %sign3A_7 = arith.cmpi slt, %iota3A, %sign3A_6 : vector<16xi32>
    %sign3A_8 = arith.extui %sign3A_7 : vector<16xi1> to vector<16xi32>
    %sign3A_9 = arith.subi %sign3A_4, %sign3A_8 : vector<16xi32>
    %sign3A_10 = arith.constant 0 : i32
    %sign3A_11 = arith.cmpi sgt, %jit3A, %sign3A_10 : i32
    %sign3A_12 = arith.extui %sign3A_11 : i1 to i32
    %sign3A_13 = arith.constant 0 : i32
    %sign3A_14 = arith.cmpi slt, %jit3A, %sign3A_13 : i32
    %sign3A_15 = arith.extui %sign3A_14 : i1 to i32
    %sign3A_16 = arith.subi %sign3A_12, %sign3A_15 : i32
    %ne3A = vector.broadcast %sign3A_16 : i32 to vector<16xi32>
    %ne3A_17 = arith.cmpi ne, %sign3A_9, %ne3A : vector<16xi32>
    %rem3A = vector.broadcast %jit3A : i32 to vector<16xi32>
    %rem3A_18 = arith.remsi %iota3A, %rem3A : vector<16xi32>
    %ne3A_19 = arith.constant 0 : i32
    %ne3A_20 = vector.broadcast %ne3A_19 : i32 to vector<16xi32>
    %ne3A_21 = arith.cmpi ne, %rem3A_18, %ne3A_20 : vector<16xi32>
    %and3A = arith.andi %ne3A_17, %ne3A_21 : vector<16xi1>
    %sub3A = arith.constant 1 : i32
    %sub3A_22 = vector.broadcast %sub3A : i32 to vector<16xi32>
    %sub3A_23 = arith.subi %div3A_1, %sub3A_22 : vector<16xi32>
    %select_n3A = arith.select %and3A, %sub3A_23, %div3A_1 : vector<16xi1>, vector<16xi32>
    %add3A_24 = arith.constant 0 : i32
    %add3A_25 = vector.broadcast %add3A_24 : i32 to vector<16xi32>
    %add3A_26 = arith.addi %select_n3A, %add3A_25 : vector<16xi32>
    %iota3A_27 = tpu.iota {dimensions = array<i32: 0>} : vector<16xi32>
    %jit3A_28 = arith.constant 8 : i32
    %div3A_29 = vector.broadcast %jit3A_28 : i32 to vector<16xi32>
    %div3A_30 = arith.divsi %iota3A_27, %div3A_29 : vector<16xi32>
    %sign3A_31 = arith.constant 0 : i32
    %sign3A_32 = vector.broadcast %sign3A_31 : i32 to vector<16xi32>
    %sign3A_33 = arith.cmpi sgt, %iota3A_27, %sign3A_32 : vector<16xi32>
    %sign3A_34 = arith.extui %sign3A_33 : vector<16xi1> to vector<16xi32>
    %sign3A_35 = arith.constant 0 : i32
    %sign3A_36 = vector.broadcast %sign3A_35 : i32 to vector<16xi32>
    %sign3A_37 = arith.cmpi slt, %iota3A_27, %sign3A_36 : vector<16xi32>
    %sign3A_38 = arith.extui %sign3A_37 : vector<16xi1> to vector<16xi32>
    %sign3A_39 = arith.subi %sign3A_34, %sign3A_38 : vector<16xi32>
    %sign3A_40 = arith.constant 0 : i32
    %sign3A_41 = arith.cmpi sgt, %jit3A_28, %sign3A_40 : i32
    %sign3A_42 = arith.extui %sign3A_41 : i1 to i32
    %sign3A_43 = arith.constant 0 : i32
    %sign3A_44 = arith.cmpi slt, %jit3A_28, %sign3A_43 : i32
    %sign3A_45 = arith.extui %sign3A_44 : i1 to i32
    %sign3A_46 = arith.subi %sign3A_42, %sign3A_45 : i32
    %ne3A_47 = vector.broadcast %sign3A_46 : i32 to vector<16xi32>
    %ne3A_48 = arith.cmpi ne, %sign3A_39, %ne3A_47 : vector<16xi32>
    %rem3A_49 = vector.broadcast %jit3A_28 : i32 to vector<16xi32>
    %rem3A_50 = arith.remsi %iota3A_27, %rem3A_49 : vector<16xi32>
    %ne3A_51 = arith.constant 0 : i32
    %ne3A_52 = vector.broadcast %ne3A_51 : i32 to vector<16xi32>
    %ne3A_53 = arith.cmpi ne, %rem3A_50, %ne3A_52 : vector<16xi32>
    %and3A_54 = arith.andi %ne3A_48, %ne3A_53 : vector<16xi1>
    %sub3A_55 = arith.constant 1 : i32
    %sub3A_56 = vector.broadcast %sub3A_55 : i32 to vector<16xi32>
    %sub3A_57 = arith.subi %div3A_30, %sub3A_56 : vector<16xi32>
    %select_n3A_58 = arith.select %and3A_54, %sub3A_57, %div3A_30 : vector<16xi1>, vector<16xi32>
    %add3A_59 = arith.constant 2 : i32
    %add3A_60 = vector.broadcast %add3A_59 : i32 to vector<16xi32>
    %add3A_61 = arith.addi %select_n3A_58, %add3A_60 : vector<16xi32>
    %iota3A_62 = tpu.iota {dimensions = array<i32: 0>} : vector<16xi32>
    %jit3A_63 = arith.constant 8 : i32
    %div3A_64 = vector.broadcast %jit3A_63 : i32 to vector<16xi32>
    %div3A_65 = arith.divsi %iota3A_62, %div3A_64 : vector<16xi32>
    %sign3A_66 = arith.constant 0 : i32
    %sign3A_67 = vector.broadcast %sign3A_66 : i32 to vector<16xi32>
    %sign3A_68 = arith.cmpi sgt, %iota3A_62, %sign3A_67 : vector<16xi32>
    %sign3A_69 = arith.extui %sign3A_68 : vector<16xi1> to vector<16xi32>
    %sign3A_70 = arith.constant 0 : i32
    %sign3A_71 = vector.broadcast %sign3A_70 : i32 to vector<16xi32>
    %sign3A_72 = arith.cmpi slt, %iota3A_62, %sign3A_71 : vector<16xi32>
    %sign3A_73 = arith.extui %sign3A_72 : vector<16xi1> to vector<16xi32>
    %sign3A_74 = arith.subi %sign3A_69, %sign3A_73 : vector<16xi32>
    %sign3A_75 = arith.constant 0 : i32
    %sign3A_76 = arith.cmpi sgt, %jit3A_63, %sign3A_75 : i32
    %sign3A_77 = arith.extui %sign3A_76 : i1 to i32
    %sign3A_78 = arith.constant 0 : i32
    %sign3A_79 = arith.cmpi slt, %jit3A_63, %sign3A_78 : i32
    %sign3A_80 = arith.extui %sign3A_79 : i1 to i32
    %sign3A_81 = arith.subi %sign3A_77, %sign3A_80 : i32
    %ne3A_82 = vector.broadcast %sign3A_81 : i32 to vector<16xi32>
    %ne3A_83 = arith.cmpi ne, %sign3A_74, %ne3A_82 : vector<16xi32>
    %rem3A_84 = vector.broadcast %jit3A_63 : i32 to vector<16xi32>
    %rem3A_85 = arith.remsi %iota3A_62, %rem3A_84 : vector<16xi32>
    %ne3A_86 = arith.constant 0 : i32
    %ne3A_87 = vector.broadcast %ne3A_86 : i32 to vector<16xi32>
    %ne3A_88 = arith.cmpi ne, %rem3A_85, %ne3A_87 : vector<16xi32>
    %and3A_89 = arith.andi %ne3A_83, %ne3A_88 : vector<16xi1>
    %sub3A_90 = arith.constant 1 : i32
    %sub3A_91 = vector.broadcast %sub3A_90 : i32 to vector<16xi32>
    %sub3A_92 = arith.subi %div3A_65, %sub3A_91 : vector<16xi32>
    %select_n3A_93 = arith.select %and3A_89, %sub3A_92, %div3A_65 : vector<16xi1>, vector<16xi32>
    %add3A_94 = arith.constant 4 : i32
    %add3A_95 = vector.broadcast %add3A_94 : i32 to vector<16xi32>
    %add3A_96 = arith.addi %select_n3A_93, %add3A_95 : vector<16xi32>
    %iota3A_97 = tpu.iota {dimensions = array<i32: 0>} : vector<16xi32>
    %jit3A_98 = arith.constant 8 : i32
    %div3A_99 = vector.broadcast %jit3A_98 : i32 to vector<16xi32>
    %div3A_100 = arith.divsi %iota3A_97, %div3A_99 : vector<16xi32>
    %sign3A_101 = arith.constant 0 : i32
    %sign3A_102 = vector.broadcast %sign3A_101 : i32 to vector<16xi32>
    %sign3A_103 = arith.cmpi sgt, %iota3A_97, %sign3A_102 : vector<16xi32>
    %sign3A_104 = arith.extui %sign3A_103 : vector<16xi1> to vector<16xi32>
    %sign3A_105 = arith.constant 0 : i32
    %sign3A_106 = vector.broadcast %sign3A_105 : i32 to vector<16xi32>
    %sign3A_107 = arith.cmpi slt, %iota3A_97, %sign3A_106 : vector<16xi32>
    %sign3A_108 = arith.extui %sign3A_107 : vector<16xi1> to vector<16xi32>
    %sign3A_109 = arith.subi %sign3A_104, %sign3A_108 : vector<16xi32>
    %sign3A_110 = arith.constant 0 : i32
    %sign3A_111 = arith.cmpi sgt, %jit3A_98, %sign3A_110 : i32
    %sign3A_112 = arith.extui %sign3A_111 : i1 to i32
    %sign3A_113 = arith.constant 0 : i32
    %sign3A_114 = arith.cmpi slt, %jit3A_98, %sign3A_113 : i32
    %sign3A_115 = arith.extui %sign3A_114 : i1 to i32
    %sign3A_116 = arith.subi %sign3A_112, %sign3A_115 : i32
    %ne3A_117 = vector.broadcast %sign3A_116 : i32 to vector<16xi32>
    %ne3A_118 = arith.cmpi ne, %sign3A_109, %ne3A_117 : vector<16xi32>
    %rem3A_119 = vector.broadcast %jit3A_98 : i32 to vector<16xi32>
    %rem3A_120 = arith.remsi %iota3A_97, %rem3A_119 : vector<16xi32>
    %ne3A_121 = arith.constant 0 : i32
    %ne3A_122 = vector.broadcast %ne3A_121 : i32 to vector<16xi32>
    %ne3A_123 = arith.cmpi ne, %rem3A_120, %ne3A_122 : vector<16xi32>
    %and3A_124 = arith.andi %ne3A_118, %ne3A_123 : vector<16xi1>
    %sub3A_125 = arith.constant 1 : i32
    %sub3A_126 = vector.broadcast %sub3A_125 : i32 to vector<16xi32>
    %sub3A_127 = arith.subi %div3A_100, %sub3A_126 : vector<16xi32>
    %select_n3A_128 = arith.select %and3A_124, %sub3A_127, %div3A_100 : vector<16xi1>, vector<16xi32>
    %add3A_129 = arith.constant 6 : i32
    %add3A_130 = vector.broadcast %add3A_129 : i32 to vector<16xi32>
    %add3A_131 = arith.addi %select_n3A_128, %add3A_130 : vector<16xi32>
    %iota3A_132 = tpu.iota {dimensions = array<i32: 0>} : vector<16xi32>
    %jit3A_133 = arith.constant 8 : i32
    %eq3A = arith.constant 0 : i32
    %eq3A_134 = arith.cmpi eq, %jit3A_133, %eq3A : i32
    %jit3A_135 = arith.constant 1 : i32
    %select_n3A_136 = arith.select %eq3A_134, %jit3A_135, %jit3A_133 : i32
    %rem3A_137 = vector.broadcast %select_n3A_136 : i32 to vector<16xi32>
    %rem3A_138 = arith.remsi %iota3A_132, %rem3A_137 : vector<16xi32>
    %ne3A_139 = arith.constant 0 : i32
    %ne3A_140 = vector.broadcast %ne3A_139 : i32 to vector<16xi32>
    %ne3A_141 = arith.cmpi ne, %rem3A_138, %ne3A_140 : vector<16xi32>
    %lt3A = arith.constant 0 : i32
    %lt3A_142 = vector.broadcast %lt3A : i32 to vector<16xi32>
    %lt3A_143 = arith.cmpi slt, %rem3A_138, %lt3A_142 : vector<16xi32>
    %lt3A_144 = arith.constant 0 : i32
    %lt3A_145 = arith.cmpi slt, %select_n3A_136, %lt3A_144 : i32
    %ne3A_146 = vector.broadcast %lt3A_145 : i1 to vector<16xi1>
    %ne3A_147 = vector.broadcast %ne3A_146 : vector<16xi1> to vector<16xi1>
    %ne3A_148 = arith.xori %lt3A_143, %ne3A_147 : vector<16xi1>
    %and3A_149 = arith.andi %ne3A_148, %ne3A_141 : vector<16xi1>
    %add3A_150 = vector.broadcast %select_n3A_136 : i32 to vector<16xi32>
    %add3A_151 = arith.addi %rem3A_138, %add3A_150 : vector<16xi32>
    %select_n3A_152 = arith.select %and3A_149, %add3A_151, %rem3A_138 : vector<16xi1>, vector<16xi32>
    %iota3A_153 = tpu.iota {dimensions = array<i32: 0>} : vector<16xi32>
    %jit3A_154 = arith.constant 8 : i32
    %eq3A_155 = arith.constant 0 : i32
    %eq3A_156 = arith.cmpi eq, %jit3A_154, %eq3A_155 : i32
    %jit3A_157 = arith.constant 1 : i32
    %select_n3A_158 = arith.select %eq3A_156, %jit3A_157, %jit3A_154 : i32
    %rem3A_159 = vector.broadcast %select_n3A_158 : i32 to vector<16xi32>
    %rem3A_160 = arith.remsi %iota3A_153, %rem3A_159 : vector<16xi32>
    %ne3A_161 = arith.constant 0 : i32
    %ne3A_162 = vector.broadcast %ne3A_161 : i32 to vector<16xi32>
    %ne3A_163 = arith.cmpi ne, %rem3A_160, %ne3A_162 : vector<16xi32>
    %lt3A_164 = arith.constant 0 : i32
    %lt3A_165 = vector.broadcast %lt3A_164 : i32 to vector<16xi32>
    %lt3A_166 = arith.cmpi slt, %rem3A_160, %lt3A_165 : vector<16xi32>
    %lt3A_167 = arith.constant 0 : i32
    %lt3A_168 = arith.cmpi slt, %select_n3A_158, %lt3A_167 : i32
    %ne3A_169 = vector.broadcast %lt3A_168 : i1 to vector<16xi1>
    %ne3A_170 = vector.broadcast %ne3A_169 : vector<16xi1> to vector<16xi1>
    %ne3A_171 = arith.xori %lt3A_166, %ne3A_170 : vector<16xi1>
    %and3A_172 = arith.andi %ne3A_171, %ne3A_163 : vector<16xi1>
    %add3A_173 = vector.broadcast %select_n3A_158 : i32 to vector<16xi32>
    %add3A_174 = arith.addi %rem3A_160, %add3A_173 : vector<16xi32>
    %select_n3A_175 = arith.select %and3A_172, %add3A_174, %rem3A_160 : vector<16xi1>, vector<16xi32>
    %iota3A_176 = tpu.iota {dimensions = array<i32: 0>} : vector<16xi32>
    %jit3A_177 = arith.constant 8 : i32
    %eq3A_178 = arith.constant 0 : i32
    %eq3A_179 = arith.cmpi eq, %jit3A_177, %eq3A_178 : i32
    %jit3A_180 = arith.constant 1 : i32
    %select_n3A_181 = arith.select %eq3A_179, %jit3A_180, %jit3A_177 : i32
    %rem3A_182 = vector.broadcast %select_n3A_181 : i32 to vector<16xi32>
    %rem3A_183 = arith.remsi %iota3A_176, %rem3A_182 : vector<16xi32>
    %ne3A_184 = arith.constant 0 : i32
    %ne3A_185 = vector.broadcast %ne3A_184 : i32 to vector<16xi32>
    %ne3A_186 = arith.cmpi ne, %rem3A_183, %ne3A_185 : vector<16xi32>
    %lt3A_187 = arith.constant 0 : i32
    %lt3A_188 = vector.broadcast %lt3A_187 : i32 to vector<16xi32>
    %lt3A_189 = arith.cmpi slt, %rem3A_183, %lt3A_188 : vector<16xi32>
    %lt3A_190 = arith.constant 0 : i32
    %lt3A_191 = arith.cmpi slt, %select_n3A_181, %lt3A_190 : i32
    %ne3A_192 = vector.broadcast %lt3A_191 : i1 to vector<16xi1>
    %ne3A_193 = vector.broadcast %ne3A_192 : vector<16xi1> to vector<16xi1>
    %ne3A_194 = arith.xori %lt3A_189, %ne3A_193 : vector<16xi1>
    %and3A_195 = arith.andi %ne3A_194, %ne3A_186 : vector<16xi1>
    %add3A_196 = vector.broadcast %select_n3A_181 : i32 to vector<16xi32>
    %add3A_197 = arith.addi %rem3A_183, %add3A_196 : vector<16xi32>
    %select_n3A_198 = arith.select %and3A_195, %add3A_197, %rem3A_183 : vector<16xi1>, vector<16xi32>
    %iota3A_199 = tpu.iota {dimensions = array<i32: 0>} : vector<16xi32>
    %jit3A_200 = arith.constant 8 : i32
    %eq3A_201 = arith.constant 0 : i32
    %eq3A_202 = arith.cmpi eq, %jit3A_200, %eq3A_201 : i32
    %jit3A_203 = arith.constant 1 : i32
    %select_n3A_204 = arith.select %eq3A_202, %jit3A_203, %jit3A_200 : i32
    %rem3A_205 = vector.broadcast %select_n3A_204 : i32 to vector<16xi32>
    %rem3A_206 = arith.remsi %iota3A_199, %rem3A_205 : vector<16xi32>
    %ne3A_207 = arith.constant 0 : i32
    %ne3A_208 = vector.broadcast %ne3A_207 : i32 to vector<16xi32>
    %ne3A_209 = arith.cmpi ne, %rem3A_206, %ne3A_208 : vector<16xi32>
    %lt3A_210 = arith.constant 0 : i32
    %lt3A_211 = vector.broadcast %lt3A_210 : i32 to vector<16xi32>
    %lt3A_212 = arith.cmpi slt, %rem3A_206, %lt3A_211 : vector<16xi32>
    %lt3A_213 = arith.constant 0 : i32
    %lt3A_214 = arith.cmpi slt, %select_n3A_204, %lt3A_213 : i32
    %ne3A_215 = vector.broadcast %lt3A_214 : i1 to vector<16xi1>
    %ne3A_216 = vector.broadcast %ne3A_215 : vector<16xi1> to vector<16xi1>
    %ne3A_217 = arith.xori %lt3A_212, %ne3A_216 : vector<16xi1>
    %and3A_218 = arith.andi %ne3A_217, %ne3A_209 : vector<16xi1>
    %add3A_219 = vector.broadcast %select_n3A_204 : i32 to vector<16xi32>
    %add3A_220 = arith.addi %rem3A_206, %add3A_219 : vector<16xi32>
    %select_n3A_221 = arith.select %and3A_218, %add3A_220, %rem3A_206 : vector<16xi1>, vector<16xi32>
    %scan3A = arith.constant 0 : i32
    %scan3A_222 = arith.constant 100 : i32
    %scan3A_223 = arith.addi %scan3A, %scan3A_222 : i32
    %scan3A_224 = arith.constant 1 : i32
    scf.for %scan3A_274 = %scan3A to %scan3A_223 step %scan3A_224  : i32 {
      %mul3A_275 = arith.constant 2 : i32
      %mul3A_276 = arith.muli %scan3A_274, %mul3A_275 : i32
      %add3A_277 = arith.constant 0 : i32
      %add3A_278 = arith.addi %mul3A_276, %add3A_277 : i32
      %ge3A = arith.constant 1 : i32
      %ge3A_279 = arith.cmpi sge, %scan3A_274, %ge3A : i32
      %convert_element_type3A = arith.extui %ge3A_279 : i1 to i32
      %cond3A = arith.constant 0 : i32
      %cond3A_280 = arith.cmpi ne, %convert_element_type3A, %cond3A : i32
      scf.if %cond3A_280 {
        %dma_wait3A_404 = arith.constant 0 : i32
        %dma_wait3A_405 = arith.constant 0 : i32
        %dma_wait3A_406 = arith.constant 0 : i32
        %dma_wait3A_407 = arith.constant 0 : i32
        %dma_wait3A_408 = tpu.memref_slice %arg5[%dma_wait3A_404, %dma_wait3A_405, %add3A, %dma_wait3A_406, %dma_wait3A_407] : memref<200x8x32x8x128xf32, #tpu.memory_space<hbm>> -> memref<1x8x1x8x128xf32, #tpu.memory_space<hbm>>
        %dma_wait3A_409 = tpu.memref_squeeze %dma_wait3A_408 : memref<1x8x1x8x128xf32, #tpu.memory_space<hbm>> -> memref<8x8x128xf32, #tpu.memory_space<hbm>>
        %dma_wait3A_410 = arith.constant 0 : i32
        %dma_wait3A_411 = arith.constant 0 : i32
        %dma_wait3A_412 = arith.constant 0 : i32
        %dma_wait3A_413 = tpu.memref_slice %arg5[%dma_wait3A_404, %dma_wait3A_410, %add3A, %dma_wait3A_411, %dma_wait3A_412] : memref<200x8x32x8x128xf32, #tpu.memory_space<hbm>> -> memref<1x8x1x8x128xf32, #tpu.memory_space<hbm>>
        %dma_wait3A_414 = tpu.memref_squeeze %dma_wait3A_413 : memref<1x8x1x8x128xf32, #tpu.memory_space<hbm>> -> memref<8x8x128xf32, #tpu.memory_space<hbm>>
        tpu.wait_dma2 semaphore(%arg14 : memref<!tpu.dma_semaphore, #tpu.memory_space<semaphore_mem>>) src(%arg9 : memref<8x8x128xf32, #tpu.memory_space<vmem>>) dst(%dma_wait3A_414 : memref<8x8x128xf32, #tpu.memory_space<hbm>>)
      } else {
      }
      %jit3A_281 = arith.constant 8 : i32
      %div3A_282 = arith.divsi %add3A_278, %jit3A_281 : i32
      %sign3A_283 = arith.constant 0 : i32
      %sign3A_284 = arith.cmpi sgt, %add3A_278, %sign3A_283 : i32
      %sign3A_285 = arith.extui %sign3A_284 : i1 to i32
      %sign3A_286 = arith.constant 0 : i32
      %sign3A_287 = arith.cmpi slt, %add3A_278, %sign3A_286 : i32
      %sign3A_288 = arith.extui %sign3A_287 : i1 to i32
      %sign3A_289 = arith.subi %sign3A_285, %sign3A_288 : i32
      %sign3A_290 = arith.constant 0 : i32
      %sign3A_291 = arith.cmpi sgt, %jit3A_281, %sign3A_290 : i32
      %sign3A_292 = arith.extui %sign3A_291 : i1 to i32
      %sign3A_293 = arith.constant 0 : i32
      %sign3A_294 = arith.cmpi slt, %jit3A_281, %sign3A_293 : i32
      %sign3A_295 = arith.extui %sign3A_294 : i1 to i32
      %sign3A_296 = arith.subi %sign3A_292, %sign3A_295 : i32
      %ne3A_297 = arith.cmpi ne, %sign3A_289, %sign3A_296 : i32
      %rem3A_298 = arith.remsi %add3A_278, %jit3A_281 : i32
      %ne3A_299 = arith.constant 0 : i32
      %ne3A_300 = arith.cmpi ne, %rem3A_298, %ne3A_299 : i32
      %and3A_301 = arith.andi %ne3A_297, %ne3A_300 : i1
      %sub3A_302 = arith.constant 1 : i32
      %sub3A_303 = arith.subi %div3A_282, %sub3A_302 : i32
      %select_n3A_304 = arith.select %and3A_301, %sub3A_303, %div3A_282 : i32
      %jit3A_305 = arith.constant 8 : i32
      %eq3A_306 = arith.constant 0 : i32
      %eq3A_307 = arith.cmpi eq, %jit3A_305, %eq3A_306 : i32
      %jit3A_308 = arith.constant 1 : i32
      %select_n3A_309 = arith.select %eq3A_307, %jit3A_308, %jit3A_305 : i32
      %rem3A_310 = arith.remsi %add3A_278, %select_n3A_309 : i32
      %ne3A_311 = arith.constant 0 : i32
      %ne3A_312 = arith.cmpi ne, %rem3A_310, %ne3A_311 : i32
      %lt3A_313 = arith.constant 0 : i32
      %lt3A_314 = arith.cmpi slt, %rem3A_310, %lt3A_313 : i32
      %lt3A_315 = arith.constant 0 : i32
      %lt3A_316 = arith.cmpi slt, %select_n3A_309, %lt3A_315 : i32
      %ne3A_317 = arith.xori %lt3A_314, %lt3A_316 : i1
      %and3A_318 = arith.andi %ne3A_317, %ne3A_312 : i1
      %add3A_319 = arith.addi %rem3A_310, %select_n3A_309 : i32
      %select_n3A_320 = arith.select %and3A_318, %add3A_319, %rem3A_310 : i32
      %dma_start3A_321 = arith.constant 0 : i32
      %dma_start3A_322 = tpu.memref_slice %arg6[%select_n3A_304, %select_n3A_320, %dma_start3A_321] : memref<25x8x128xi32, #tpu.memory_space<vmem>> -> memref<1x1x128xi32, #tpu.memory_space<vmem>>
      %dma_start3A_323 = tpu.memref_squeeze %dma_start3A_322 : memref<1x1x128xi32, #tpu.memory_space<vmem>> -> memref<128xi32, #tpu.memory_space<vmem>>
      %dma_start3A_324 = arith.constant 0 : i32
      %dma_start3A_325 = arith.constant 0 : i32
      %dma_start3A_326 = tpu.memref_slice %arg4[%dma_start3A_324, %dma_start3A_325] : memref<1000000x64xf32, #tpu.memory_space<hbm>> -> memref<1000000x64xf32, #tpu.memory_space<hbm>>
      tpu.enqueue_indirect_dma source(%dma_start3A_326 : memref<1000000x64xf32, #tpu.memory_space<hbm>>) target(%arg7 : memref<128x64xf32, #tpu.memory_space<vmem>>) offsets(%dma_start3A_323 : memref<128xi32, #tpu.memory_space<vmem>>) semaphore(%arg12 : memref<!tpu.dma_semaphore, #tpu.memory_space<semaphore_mem>>)
      %ge3A_327 = arith.constant 1 : i32
      %ge3A_328 = arith.cmpi sge, %add3A_278, %ge3A_327 : i32
      %convert_element_type3A_329 = arith.extui %ge3A_328 : i1 to i32
      %cond3A_330 = arith.constant 0 : i32
      %cond3A_331 = arith.cmpi ne, %convert_element_type3A_329, %cond3A_330 : i32
      scf.if %cond3A_331 {
        %sub3A_404 = arith.constant 1 : i32
        %sub3A_405 = arith.subi %add3A_278, %sub3A_404 : i32
        %get3A_406 = arith.index_cast %sub3A_405 : i32 to index
        %get3A_407 = arith.constant 0 : index
        %get3A_408 = tpu.vector_load %arg11[%get3A_406, %get3A_407] {strides = array<i32>} : memref<200x64xf32, #tpu.memory_space<vmem>>, vector<16xf32>,
        %get3A_409 = arith.index_cast %sub3A_405 : i32 to index
        %get3A_410 = arith.constant 16 : index
        %get3A_411 = tpu.vector_load %arg11[%get3A_409, %get3A_410] {strides = array<i32>} : memref<200x64xf32, #tpu.memory_space<vmem>>, vector<16xf32>,
        %get3A_412 = arith.index_cast %sub3A_405 : i32 to index
        %get3A_413 = arith.constant 32 : index
        %get3A_414 = tpu.vector_load %arg11[%get3A_412, %get3A_413] {strides = array<i32>} : memref<200x64xf32, #tpu.memory_space<vmem>>, vector<16xf32>,
        %get3A_415 = arith.index_cast %sub3A_405 : i32 to index
        %get3A_416 = arith.constant 48 : index
        %get3A_417 = tpu.vector_load %arg11[%get3A_415, %get3A_416] {strides = array<i32>} : memref<200x64xf32, #tpu.memory_space<vmem>>, vector<16xf32>,
        %parallel_loop3A_418 = arith.constant 0 : i32
        %parallel_loop3A_419 = arith.constant 128 : i32
        %parallel_loop3A_420 = arith.constant 1 : i32
        scf.for %parallel_loop3A_431 = %parallel_loop3A_418 to %parallel_loop3A_419 step %parallel_loop3A_420  : i32 {
          %parallel_loop3A_432 = vector.broadcast %parallel_loop3A_431 : i32 to vector<16xi32>
          %parallel_loop3A_433 = arith.index_cast %parallel_loop3A_431 : i32 to index
          %parallel_loop3A_434 = arith.constant 0 : index
          %parallel_loop3A_435 = tpu.vector_load %arg8[%parallel_loop3A_433, %parallel_loop3A_434] {strides = array<i32>} : memref<128x64xf32, #tpu.memory_space<vmem>>, vector<16xf32>,
          %parallel_loop3A_436 = arith.addf %parallel_loop3A_435, %get3A_408 : vector<16xf32>
          tpu.vector_store_idx %arg10[%add3A_26, %select_n3A_152, %parallel_loop3A_432], %parallel_loop3A_436 : memref<8x8x128xf32, #tpu.memory_space<vmem>>[vector<16xi32>, vector<16xi32>, vector<16xi32>], vector<16xf32>,
          %parallel_loop3A_437 = arith.index_cast %parallel_loop3A_431 : i32 to index
          %parallel_loop3A_438 = arith.constant 16 : index
          %parallel_loop3A_439 = tpu.vector_load %arg8[%parallel_loop3A_437, %parallel_loop3A_438] {strides = array<i32>} : memref<128x64xf32, #tpu.memory_space<vmem>>, vector<16xf32>,
          %parallel_loop3A_440 = arith.addf %parallel_loop3A_439, %get3A_411 : vector<16xf32>
          tpu.vector_store_idx %arg10[%add3A_61, %select_n3A_175, %parallel_loop3A_432], %parallel_loop3A_440 : memref<8x8x128xf32, #tpu.memory_space<vmem>>[vector<16xi32>, vector<16xi32>, vector<16xi32>], vector<16xf32>,
          %parallel_loop3A_441 = arith.index_cast %parallel_loop3A_431 : i32 to index
          %parallel_loop3A_442 = arith.constant 32 : index
          %parallel_loop3A_443 = tpu.vector_load %arg8[%parallel_loop3A_441, %parallel_loop3A_442] {strides = array<i32>} : memref<128x64xf32, #tpu.memory_space<vmem>>, vector<16xf32>,
          %parallel_loop3A_444 = arith.addf %parallel_loop3A_443, %get3A_414 : vector<16xf32>
          tpu.vector_store_idx %arg10[%add3A_96, %select_n3A_198, %parallel_loop3A_432], %parallel_loop3A_444 : memref<8x8x128xf32, #tpu.memory_space<vmem>>[vector<16xi32>, vector<16xi32>, vector<16xi32>], vector<16xf32>,
          %parallel_loop3A_445 = arith.index_cast %parallel_loop3A_431 : i32 to index
          %parallel_loop3A_446 = arith.constant 48 : index
          %parallel_loop3A_447 = tpu.vector_load %arg8[%parallel_loop3A_445, %parallel_loop3A_446] {strides = array<i32>} : memref<128x64xf32, #tpu.memory_space<vmem>>, vector<16xf32>,
          %parallel_loop3A_448 = arith.addf %parallel_loop3A_447, %get3A_417 : vector<16xf32>
          tpu.vector_store_idx %arg10[%add3A_131, %select_n3A_221, %parallel_loop3A_432], %parallel_loop3A_448 : memref<8x8x128xf32, #tpu.memory_space<vmem>>[vector<16xi32>, vector<16xi32>, vector<16xi32>], vector<16xf32>,
        } {sc.loop_unroll_factor = 4 : i64, sc.parallel_access}
        %dma_start3A_421 = arith.constant 0 : i32
        %dma_start3A_422 = arith.constant 0 : i32
        %dma_start3A_423 = arith.constant 0 : i32
        %dma_start3A_424 = tpu.memref_slice %arg5[%sub3A_405, %dma_start3A_421, %add3A, %dma_start3A_422, %dma_start3A_423] : memref<200x8x32x8x128xf32, #tpu.memory_space<hbm>> -> memref<1x8x1x8x128xf32, #tpu.memory_space<hbm>>
        %dma_start3A_425 = tpu.memref_squeeze %dma_start3A_424 : memref<1x8x1x8x128xf32, #tpu.memory_space<hbm>> -> memref<8x8x128xf32, #tpu.memory_space<hbm>>
        %dma_start3A_426 = arith.constant 0 : i32
        %dma_start3A_427 = arith.constant 0 : i32
        %dma_start3A_428 = arith.constant 0 : i32
        %dma_start3A_429 = tpu.memref_slice %arg5[%sub3A_405, %dma_start3A_426, %add3A, %dma_start3A_427, %dma_start3A_428] : memref<200x8x32x8x128xf32, #tpu.memory_space<hbm>> -> memref<1x8x1x8x128xf32, #tpu.memory_space<hbm>>
        %dma_start3A_430 = tpu.memref_squeeze %dma_start3A_429 : memref<1x8x1x8x128xf32, #tpu.memory_space<hbm>> -> memref<8x8x128xf32, #tpu.memory_space<hbm>>
        tpu.enqueue_dma source(%arg10 : memref<8x8x128xf32, #tpu.memory_space<vmem>>) target(%dma_start3A_430 : memref<8x8x128xf32, #tpu.memory_space<hbm>>) target_semaphore(%arg15 : memref<!tpu.dma_semaphore, #tpu.memory_space<semaphore_mem>>)
      } else {
      }
      %dma_wait3A_332 = arith.constant 0 : i32
      %dma_wait3A_333 = tpu.memref_slice %arg6[%select_n3A_304, %select_n3A_320, %dma_wait3A_332] : memref<25x8x128xi32, #tpu.memory_space<vmem>> -> memref<1x1x128xi32, #tpu.memory_space<vmem>>
      %dma_wait3A_334 = tpu.memref_squeeze %dma_wait3A_333 : memref<1x1x128xi32, #tpu.memory_space<vmem>> -> memref<128xi32, #tpu.memory_space<vmem>>
      %dma_wait3A_335 = arith.constant 0 : i32
      %dma_wait3A_336 = arith.constant 0 : i32
      %dma_wait3A_337 = tpu.memref_slice %arg4[%dma_wait3A_335, %dma_wait3A_336] : memref<1000000x64xf32, #tpu.memory_space<hbm>> -> memref<1000000x64xf32, #tpu.memory_space<hbm>>
      tpu.wait_indirect_dma semaphore(%arg12 : memref<!tpu.dma_semaphore, #tpu.memory_space<semaphore_mem>>) src(%dma_wait3A_337 : memref<1000000x64xf32, #tpu.memory_space<hbm>>) dst(%arg7 : memref<128x64xf32, #tpu.memory_space<vmem>>)
      %mul3A_338 = arith.constant 2 : i32
      %mul3A_339 = arith.muli %scan3A_274, %mul3A_338 : i32
      %add3A_340 = arith.constant 1 : i32
      %add3A_341 = arith.addi %mul3A_339, %add3A_340 : i32
      %ge3A_342 = arith.constant 1 : i32
      %ge3A_343 = arith.cmpi sge, %scan3A_274, %ge3A_342 : i32
      %convert_element_type3A_344 = arith.extui %ge3A_343 : i1 to i32
      %cond3A_345 = arith.constant 0 : i32
      %cond3A_346 = arith.cmpi ne, %convert_element_type3A_344, %cond3A_345 : i32
      scf.if %cond3A_346 {
        %dma_wait3A_404 = arith.constant 0 : i32
        %dma_wait3A_405 = arith.constant 0 : i32
        %dma_wait3A_406 = arith.constant 0 : i32
        %dma_wait3A_407 = arith.constant 0 : i32
        %dma_wait3A_408 = tpu.memref_slice %arg5[%dma_wait3A_404, %dma_wait3A_405, %add3A, %dma_wait3A_406, %dma_wait3A_407] : memref<200x8x32x8x128xf32, #tpu.memory_space<hbm>> -> memref<1x8x1x8x128xf32, #tpu.memory_space<hbm>>
        %dma_wait3A_409 = tpu.memref_squeeze %dma_wait3A_408 : memref<1x8x1x8x128xf32, #tpu.memory_space<hbm>> -> memref<8x8x128xf32, #tpu.memory_space<hbm>>
        %dma_wait3A_410 = arith.constant 0 : i32
        %dma_wait3A_411 = arith.constant 0 : i32
        %dma_wait3A_412 = arith.constant 0 : i32
        %dma_wait3A_413 = tpu.memref_slice %arg5[%dma_wait3A_404, %dma_wait3A_410, %add3A, %dma_wait3A_411, %dma_wait3A_412] : memref<200x8x32x8x128xf32, #tpu.memory_space<hbm>> -> memref<1x8x1x8x128xf32, #tpu.memory_space<hbm>>
        %dma_wait3A_414 = tpu.memref_squeeze %dma_wait3A_413 : memref<1x8x1x8x128xf32, #tpu.memory_space<hbm>> -> memref<8x8x128xf32, #tpu.memory_space<hbm>>
        tpu.wait_dma2 semaphore(%arg15 : memref<!tpu.dma_semaphore, #tpu.memory_space<semaphore_mem>>) src(%arg10 : memref<8x8x128xf32, #tpu.memory_space<vmem>>) dst(%dma_wait3A_414 : memref<8x8x128xf32, #tpu.memory_space<hbm>>)
      } else {
      }
      %jit3A_347 = arith.constant 8 : i32
      %div3A_348 = arith.divsi %add3A_341, %jit3A_347 : i32
      %sign3A_349 = arith.constant 0 : i32
      %sign3A_350 = arith.cmpi sgt, %add3A_341, %sign3A_349 : i32
      %sign3A_351 = arith.extui %sign3A_350 : i1 to i32
      %sign3A_352 = arith.constant 0 : i32
      %sign3A_353 = arith.cmpi slt, %add3A_341, %sign3A_352 : i32
      %sign3A_354 = arith.extui %sign3A_353 : i1 to i32
      %sign3A_355 = arith.subi %sign3A_351, %sign3A_354 : i32
      %sign3A_356 = arith.constant 0 : i32
      %sign3A_357 = arith.cmpi sgt, %jit3A_347, %sign3A_356 : i32
      %sign3A_358 = arith.extui %sign3A_357 : i1 to i32
      %sign3A_359 = arith.constant 0 : i32
      %sign3A_360 = arith.cmpi slt, %jit3A_347, %sign3A_359 : i32
      %sign3A_361 = arith.extui %sign3A_360 : i1 to i32
      %sign3A_362 = arith.subi %sign3A_358, %sign3A_361 : i32
      %ne3A_363 = arith.cmpi ne, %sign3A_355, %sign3A_362 : i32
      %rem3A_364 = arith.remsi %add3A_341, %jit3A_347 : i32
      %ne3A_365 = arith.constant 0 : i32
      %ne3A_366 = arith.cmpi ne, %rem3A_364, %ne3A_365 : i32
      %and3A_367 = arith.andi %ne3A_363, %ne3A_366 : i1
      %sub3A_368 = arith.constant 1 : i32
      %sub3A_369 = arith.subi %div3A_348, %sub3A_368 : i32
      %select_n3A_370 = arith.select %and3A_367, %sub3A_369, %div3A_348 : i32
      %jit3A_371 = arith.constant 8 : i32
      %eq3A_372 = arith.constant 0 : i32
      %eq3A_373 = arith.cmpi eq, %jit3A_371, %eq3A_372 : i32
      %jit3A_374 = arith.constant 1 : i32
      %select_n3A_375 = arith.select %eq3A_373, %jit3A_374, %jit3A_371 : i32
      %rem3A_376 = arith.remsi %add3A_341, %select_n3A_375 : i32
      %ne3A_377 = arith.constant 0 : i32
      %ne3A_378 = arith.cmpi ne, %rem3A_376, %ne3A_377 : i32
      %lt3A_379 = arith.constant 0 : i32
      %lt3A_380 = arith.cmpi slt, %rem3A_376, %lt3A_379 : i32
      %lt3A_381 = arith.constant 0 : i32
      %lt3A_382 = arith.cmpi slt, %select_n3A_375, %lt3A_381 : i32
      %ne3A_383 = arith.xori %lt3A_380, %lt3A_382 : i1
      %and3A_384 = arith.andi %ne3A_383, %ne3A_378 : i1
      %add3A_385 = arith.addi %rem3A_376, %select_n3A_375 : i32
      %select_n3A_386 = arith.select %and3A_384, %add3A_385, %rem3A_376 : i32
      %dma_start3A_387 = arith.constant 0 : i32
      %dma_start3A_388 = tpu.memref_slice %arg6[%select_n3A_370, %select_n3A_386, %dma_start3A_387] : memref<25x8x128xi32, #tpu.memory_space<vmem>> -> memref<1x1x128xi32, #tpu.memory_space<vmem>>
      %dma_start3A_389 = tpu.memref_squeeze %dma_start3A_388 : memref<1x1x128xi32, #tpu.memory_space<vmem>> -> memref<128xi32, #tpu.memory_space<vmem>>
      %dma_start3A_390 = arith.constant 0 : i32
      %dma_start3A_391 = arith.constant 0 : i32
      %dma_start3A_392 = tpu.memref_slice %arg4[%dma_start3A_390, %dma_start3A_391] : memref<1000000x64xf32, #tpu.memory_space<hbm>> -> memref<1000000x64xf32, #tpu.memory_space<hbm>>
      tpu.enqueue_indirect_dma source(%dma_start3A_392 : memref<1000000x64xf32, #tpu.memory_space<hbm>>) target(%arg8 : memref<128x64xf32, #tpu.memory_space<vmem>>) offsets(%dma_start3A_389 : memref<128xi32, #tpu.memory_space<vmem>>) semaphore(%arg13 : memref<!tpu.dma_semaphore, #tpu.memory_space<semaphore_mem>>)
      %ge3A_393 = arith.constant 1 : i32
      %ge3A_394 = arith.cmpi sge, %add3A_341, %ge3A_393 : i32
      %convert_element_type3A_395 = arith.extui %ge3A_394 : i1 to i32
      %cond3A_396 = arith.constant 0 : i32
      %cond3A_397 = arith.cmpi ne, %convert_element_type3A_395, %cond3A_396 : i32
      scf.if %cond3A_397 {
        %sub3A_404 = arith.constant 1 : i32
        %sub3A_405 = arith.subi %add3A_341, %sub3A_404 : i32
        %get3A_406 = arith.index_cast %sub3A_405 : i32 to index
        %get3A_407 = arith.constant 0 : index
        %get3A_408 = tpu.vector_load %arg11[%get3A_406, %get3A_407] {strides = array<i32>} : memref<200x64xf32, #tpu.memory_space<vmem>>, vector<16xf32>,
        %get3A_409 = arith.index_cast %sub3A_405 : i32 to index
        %get3A_410 = arith.constant 16 : index
        %get3A_411 = tpu.vector_load %arg11[%get3A_409, %get3A_410] {strides = array<i32>} : memref<200x64xf32, #tpu.memory_space<vmem>>, vector<16xf32>,
        %get3A_412 = arith.index_cast %sub3A_405 : i32 to index
        %get3A_413 = arith.constant 32 : index
        %get3A_414 = tpu.vector_load %arg11[%get3A_412, %get3A_413] {strides = array<i32>} : memref<200x64xf32, #tpu.memory_space<vmem>>, vector<16xf32>,
        %get3A_415 = arith.index_cast %sub3A_405 : i32 to index
        %get3A_416 = arith.constant 48 : index
        %get3A_417 = tpu.vector_load %arg11[%get3A_415, %get3A_416] {strides = array<i32>} : memref<200x64xf32, #tpu.memory_space<vmem>>, vector<16xf32>,
        %parallel_loop3A_418 = arith.constant 0 : i32
        %parallel_loop3A_419 = arith.constant 128 : i32
        %parallel_loop3A_420 = arith.constant 1 : i32
        scf.for %parallel_loop3A_431 = %parallel_loop3A_418 to %parallel_loop3A_419 step %parallel_loop3A_420  : i32 {
          %parallel_loop3A_432 = vector.broadcast %parallel_loop3A_431 : i32 to vector<16xi32>
          %parallel_loop3A_433 = arith.index_cast %parallel_loop3A_431 : i32 to index
          %parallel_loop3A_434 = arith.constant 0 : index
          %parallel_loop3A_435 = tpu.vector_load %arg7[%parallel_loop3A_433, %parallel_loop3A_434] {strides = array<i32>} : memref<128x64xf32, #tpu.memory_space<vmem>>, vector<16xf32>,
          %parallel_loop3A_436 = arith.addf %parallel_loop3A_435, %get3A_408 : vector<16xf32>
          tpu.vector_store_idx %arg9[%add3A_26, %select_n3A_152, %parallel_loop3A_432], %parallel_loop3A_436 : memref<8x8x128xf32, #tpu.memory_space<vmem>>[vector<16xi32>, vector<16xi32>, vector<16xi32>], vector<16xf32>,
          %parallel_loop3A_437 = arith.index_cast %parallel_loop3A_431 : i32 to index
          %parallel_loop3A_438 = arith.constant 16 : index
          %parallel_loop3A_439 = tpu.vector_load %arg7[%parallel_loop3A_437, %parallel_loop3A_438] {strides = array<i32>} : memref<128x64xf32, #tpu.memory_space<vmem>>, vector<16xf32>,
          %parallel_loop3A_440 = arith.addf %parallel_loop3A_439, %get3A_411 : vector<16xf32>
          tpu.vector_store_idx %arg9[%add3A_61, %select_n3A_175, %parallel_loop3A_432], %parallel_loop3A_440 : memref<8x8x128xf32, #tpu.memory_space<vmem>>[vector<16xi32>, vector<16xi32>, vector<16xi32>], vector<16xf32>,
          %parallel_loop3A_441 = arith.index_cast %parallel_loop3A_431 : i32 to index
          %parallel_loop3A_442 = arith.constant 32 : index
          %parallel_loop3A_443 = tpu.vector_load %arg7[%parallel_loop3A_441, %parallel_loop3A_442] {strides = array<i32>} : memref<128x64xf32, #tpu.memory_space<vmem>>, vector<16xf32>,
          %parallel_loop3A_444 = arith.addf %parallel_loop3A_443, %get3A_414 : vector<16xf32>
          tpu.vector_store_idx %arg9[%add3A_96, %select_n3A_198, %parallel_loop3A_432], %parallel_loop3A_444 : memref<8x8x128xf32, #tpu.memory_space<vmem>>[vector<16xi32>, vector<16xi32>, vector<16xi32>], vector<16xf32>,
          %parallel_loop3A_445 = arith.index_cast %parallel_loop3A_431 : i32 to index
          %parallel_loop3A_446 = arith.constant 48 : index
          %parallel_loop3A_447 = tpu.vector_load %arg7[%parallel_loop3A_445, %parallel_loop3A_446] {strides = array<i32>} : memref<128x64xf32, #tpu.memory_space<vmem>>, vector<16xf32>,
          %parallel_loop3A_448 = arith.addf %parallel_loop3A_447, %get3A_417 : vector<16xf32>
          tpu.vector_store_idx %arg9[%add3A_131, %select_n3A_221, %parallel_loop3A_432], %parallel_loop3A_448 : memref<8x8x128xf32, #tpu.memory_space<vmem>>[vector<16xi32>, vector<16xi32>, vector<16xi32>], vector<16xf32>,
        } {sc.loop_unroll_factor = 4 : i64, sc.parallel_access}
        %dma_start3A_421 = arith.constant 0 : i32
        %dma_start3A_422 = arith.constant 0 : i32
        %dma_start3A_423 = arith.constant 0 : i32
        %dma_start3A_424 = tpu.memref_slice %arg5[%sub3A_405, %dma_start3A_421, %add3A, %dma_start3A_422, %dma_start3A_423] : memref<200x8x32x8x128xf32, #tpu.memory_space<hbm>> -> memref<1x8x1x8x128xf32, #tpu.memory_space<hbm>>
        %dma_start3A_425 = tpu.memref_squeeze %dma_start3A_424 : memref<1x8x1x8x128xf32, #tpu.memory_space<hbm>> -> memref<8x8x128xf32, #tpu.memory_space<hbm>>
        %dma_start3A_426 = arith.constant 0 : i32
        %dma_start3A_427 = arith.constant 0 : i32
        %dma_start3A_428 = arith.constant 0 : i32
        %dma_start3A_429 = tpu.memref_slice %arg5[%sub3A_405, %dma_start3A_426, %add3A, %dma_start3A_427, %dma_start3A_428] : memref<200x8x32x8x128xf32, #tpu.memory_space<hbm>> -> memref<1x8x1x8x128xf32, #tpu.memory_space<hbm>>
        %dma_start3A_430 = tpu.memref_squeeze %dma_start3A_429 : memref<1x8x1x8x128xf32, #tpu.memory_space<hbm>> -> memref<8x8x128xf32, #tpu.memory_space<hbm>>
        tpu.enqueue_dma source(%arg9 : memref<8x8x128xf32, #tpu.memory_space<vmem>>) target(%dma_start3A_430 : memref<8x8x128xf32, #tpu.memory_space<hbm>>) target_semaphore(%arg14 : memref<!tpu.dma_semaphore, #tpu.memory_space<semaphore_mem>>)
      } else {
      }
      %dma_wait3A_398 = arith.constant 0 : i32
      %dma_wait3A_399 = tpu.memref_slice %arg6[%select_n3A_370, %select_n3A_386, %dma_wait3A_398] : memref<25x8x128xi32, #tpu.memory_space<vmem>> -> memref<1x1x128xi32, #tpu.memory_space<vmem>>
      %dma_wait3A_400 = tpu.memref_squeeze %dma_wait3A_399 : memref<1x1x128xi32, #tpu.memory_space<vmem>> -> memref<128xi32, #tpu.memory_space<vmem>>
      %dma_wait3A_401 = arith.constant 0 : i32
      %dma_wait3A_402 = arith.constant 0 : i32
      %dma_wait3A_403 = tpu.memref_slice %arg4[%dma_wait3A_401, %dma_wait3A_402] : memref<1000000x64xf32, #tpu.memory_space<hbm>> -> memref<1000000x64xf32, #tpu.memory_space<hbm>>
      tpu.wait_indirect_dma semaphore(%arg13 : memref<!tpu.dma_semaphore, #tpu.memory_space<semaphore_mem>>) src(%dma_wait3A_403 : memref<1000000x64xf32, #tpu.memory_space<hbm>>) dst(%arg8 : memref<128x64xf32, #tpu.memory_space<vmem>>)
    }
    %scan3A_225 = arith.constant 100 : i32
    %get3A = arith.constant 199 : i32
    %get3A_226 = arith.index_cast %get3A : i32 to index
    %get3A_227 = arith.constant 0 : index
    %get3A_228 = tpu.vector_load %arg11[%get3A_226, %get3A_227] {strides = array<i32>} : memref<200x64xf32, #tpu.memory_space<vmem>>, vector<16xf32>,
    %get3A_229 = arith.constant 199 : i32
    %get3A_230 = arith.index_cast %get3A_229 : i32 to index
    %get3A_231 = arith.constant 16 : index
    %get3A_232 = tpu.vector_load %arg11[%get3A_230, %get3A_231] {strides = array<i32>} : memref<200x64xf32, #tpu.memory_space<vmem>>, vector<16xf32>,
    %get3A_233 = arith.constant 199 : i32
    %get3A_234 = arith.index_cast %get3A_233 : i32 to index
    %get3A_235 = arith.constant 32 : index
    %get3A_236 = tpu.vector_load %arg11[%get3A_234, %get3A_235] {strides = array<i32>} : memref<200x64xf32, #tpu.memory_space<vmem>>, vector<16xf32>,
    %get3A_237 = arith.constant 199 : i32
    %get3A_238 = arith.index_cast %get3A_237 : i32 to index
    %get3A_239 = arith.constant 48 : index
    %get3A_240 = tpu.vector_load %arg11[%get3A_238, %get3A_239] {strides = array<i32>} : memref<200x64xf32, #tpu.memory_space<vmem>>, vector<16xf32>,
    %parallel_loop3A = arith.constant 0 : i32
    %parallel_loop3A_241 = arith.constant 128 : i32
    %parallel_loop3A_242 = arith.constant 1 : i32
    scf.for %parallel_loop3A_274 = %parallel_loop3A to %parallel_loop3A_241 step %parallel_loop3A_242  : i32 {
      %parallel_loop3A_275 = vector.broadcast %parallel_loop3A_274 : i32 to vector<16xi32>
      %parallel_loop3A_276 = arith.index_cast %parallel_loop3A_274 : i32 to index
      %parallel_loop3A_277 = arith.constant 0 : index
      %parallel_loop3A_278 = tpu.vector_load %arg8[%parallel_loop3A_276, %parallel_loop3A_277] {strides = array<i32>} : memref<128x64xf32, #tpu.memory_space<vmem>>, vector<16xf32>,
      %parallel_loop3A_279 = arith.addf %parallel_loop3A_278, %get3A_228 : vector<16xf32>
      tpu.vector_store_idx %arg10[%add3A_26, %select_n3A_152, %parallel_loop3A_275], %parallel_loop3A_279 : memref<8x8x128xf32, #tpu.memory_space<vmem>>[vector<16xi32>, vector<16xi32>, vector<16xi32>], vector<16xf32>,
      %parallel_loop3A_280 = arith.index_cast %parallel_loop3A_274 : i32 to index
      %parallel_loop3A_281 = arith.constant 16 : index
      %parallel_loop3A_282 = tpu.vector_load %arg8[%parallel_loop3A_280, %parallel_loop3A_281] {strides = array<i32>} : memref<128x64xf32, #tpu.memory_space<vmem>>, vector<16xf32>,
      %parallel_loop3A_283 = arith.addf %parallel_loop3A_282, %get3A_232 : vector<16xf32>
      tpu.vector_store_idx %arg10[%add3A_61, %select_n3A_175, %parallel_loop3A_275], %parallel_loop3A_283 : memref<8x8x128xf32, #tpu.memory_space<vmem>>[vector<16xi32>, vector<16xi32>, vector<16xi32>], vector<16xf32>,
      %parallel_loop3A_284 = arith.index_cast %parallel_loop3A_274 : i32 to index
      %parallel_loop3A_285 = arith.constant 32 : index
      %parallel_loop3A_286 = tpu.vector_load %arg8[%parallel_loop3A_284, %parallel_loop3A_285] {strides = array<i32>} : memref<128x64xf32, #tpu.memory_space<vmem>>, vector<16xf32>,
      %parallel_loop3A_287 = arith.addf %parallel_loop3A_286, %get3A_236 : vector<16xf32>
      tpu.vector_store_idx %arg10[%add3A_96, %select_n3A_198, %parallel_loop3A_275], %parallel_loop3A_287 : memref<8x8x128xf32, #tpu.memory_space<vmem>>[vector<16xi32>, vector<16xi32>, vector<16xi32>], vector<16xf32>,
      %parallel_loop3A_288 = arith.index_cast %parallel_loop3A_274 : i32 to index
      %parallel_loop3A_289 = arith.constant 48 : index
      %parallel_loop3A_290 = tpu.vector_load %arg8[%parallel_loop3A_288, %parallel_loop3A_289] {strides = array<i32>} : memref<128x64xf32, #tpu.memory_space<vmem>>, vector<16xf32>,
      %parallel_loop3A_291 = arith.addf %parallel_loop3A_290, %get3A_240 : vector<16xf32>
      tpu.vector_store_idx %arg10[%add3A_131, %select_n3A_221, %parallel_loop3A_275], %parallel_loop3A_291 : memref<8x8x128xf32, #tpu.memory_space<vmem>>[vector<16xi32>, vector<16xi32>, vector<16xi32>], vector<16xf32>,
    } {sc.loop_unroll_factor = 4 : i64, sc.parallel_access}
    %dma_start3A = arith.constant 199 : i32
    %dma_start3A_243 = arith.constant 0 : i32
    %dma_start3A_244 = arith.constant 0 : i32
    %dma_start3A_245 = arith.constant 0 : i32
    %dma_start3A_246 = tpu.memref_slice %arg5[%dma_start3A, %dma_start3A_243, %add3A, %dma_start3A_244, %dma_start3A_245] : memref<200x8x32x8x128xf32, #tpu.memory_space<hbm>> -> memref<1x8x1x8x128xf32, #tpu.memory_space<hbm>>
    %dma_start3A_247 = tpu.memref_squeeze %dma_start3A_246 : memref<1x8x1x8x128xf32, #tpu.memory_space<hbm>> -> memref<8x8x128xf32, #tpu.memory_space<hbm>>
    %dma_start3A_248 = arith.constant 0 : i32
    %dma_start3A_249 = arith.constant 0 : i32
    %dma_start3A_250 = arith.constant 0 : i32
    %dma_start3A_251 = tpu.memref_slice %arg5[%dma_start3A, %dma_start3A_248, %add3A, %dma_start3A_249, %dma_start3A_250] : memref<200x8x32x8x128xf32, #tpu.memory_space<hbm>> -> memref<1x8x1x8x128xf32, #tpu.memory_space<hbm>>
    %dma_start3A_252 = tpu.memref_squeeze %dma_start3A_251 : memref<1x8x1x8x128xf32, #tpu.memory_space<hbm>> -> memref<8x8x128xf32, #tpu.memory_space<hbm>>
    tpu.enqueue_dma source(%arg10 : memref<8x8x128xf32, #tpu.memory_space<vmem>>) target(%dma_start3A_252 : memref<8x8x128xf32, #tpu.memory_space<hbm>>) target_semaphore(%arg15 : memref<!tpu.dma_semaphore, #tpu.memory_space<semaphore_mem>>)
    %dma_wait3A = arith.constant 0 : i32
    %dma_wait3A_253 = arith.constant 0 : i32
    %dma_wait3A_254 = arith.constant 0 : i32
    %dma_wait3A_255 = arith.constant 0 : i32
    %dma_wait3A_256 = tpu.memref_slice %arg5[%dma_wait3A, %dma_wait3A_253, %add3A, %dma_wait3A_254, %dma_wait3A_255] : memref<200x8x32x8x128xf32, #tpu.memory_space<hbm>> -> memref<1x8x1x8x128xf32, #tpu.memory_space<hbm>>
    %dma_wait3A_257 = tpu.memref_squeeze %dma_wait3A_256 : memref<1x8x1x8x128xf32, #tpu.memory_space<hbm>> -> memref<8x8x128xf32, #tpu.memory_space<hbm>>
    %dma_wait3A_258 = arith.constant 0 : i32
    %dma_wait3A_259 = arith.constant 0 : i32
    %dma_wait3A_260 = arith.constant 0 : i32
    %dma_wait3A_261 = tpu.memref_slice %arg5[%dma_wait3A, %dma_wait3A_258, %add3A, %dma_wait3A_259, %dma_wait3A_260] : memref<200x8x32x8x128xf32, #tpu.memory_space<hbm>> -> memref<1x8x1x8x128xf32, #tpu.memory_space<hbm>>
    %dma_wait3A_262 = tpu.memref_squeeze %dma_wait3A_261 : memref<1x8x1x8x128xf32, #tpu.memory_space<hbm>> -> memref<8x8x128xf32, #tpu.memory_space<hbm>>
    tpu.wait_dma2 semaphore(%arg14 : memref<!tpu.dma_semaphore, #tpu.memory_space<semaphore_mem>>) src(%arg9 : memref<8x8x128xf32, #tpu.memory_space<vmem>>) dst(%dma_wait3A_262 : memref<8x8x128xf32, #tpu.memory_space<hbm>>)
    %dma_wait3A_263 = arith.constant 0 : i32
    %dma_wait3A_264 = arith.constant 0 : i32
    %dma_wait3A_265 = arith.constant 0 : i32
    %dma_wait3A_266 = arith.constant 0 : i32
    %dma_wait3A_267 = tpu.memref_slice %arg5[%dma_wait3A_263, %dma_wait3A_264, %add3A, %dma_wait3A_265, %dma_wait3A_266] : memref<200x8x32x8x128xf32, #tpu.memory_space<hbm>> -> memref<1x8x1x8x128xf32, #tpu.memory_space<hbm>>
    %dma_wait3A_268 = tpu.memref_squeeze %dma_wait3A_267 : memref<1x8x1x8x128xf32, #tpu.memory_space<hbm>> -> memref<8x8x128xf32, #tpu.memory_space<hbm>>
    %dma_wait3A_269 = arith.constant 0 : i32
    %dma_wait3A_270 = arith.constant 0 : i32
    %dma_wait3A_271 = arith.constant 0 : i32
    %dma_wait3A_272 = tpu.memref_slice %arg5[%dma_wait3A_263, %dma_wait3A_269, %add3A, %dma_wait3A_270, %dma_wait3A_271] : memref<200x8x32x8x128xf32, #tpu.memory_space<hbm>> -> memref<1x8x1x8x128xf32, #tpu.memory_space<hbm>>
    %dma_wait3A_273 = tpu.memref_squeeze %dma_wait3A_272 : memref<1x8x1x8x128xf32, #tpu.memory_space<hbm>> -> memref<8x8x128xf32, #tpu.memory_space<hbm>>
    tpu.wait_dma2 semaphore(%arg15 : memref<!tpu.dma_semaphore, #tpu.memory_space<semaphore_mem>>) src(%arg10 : memref<8x8x128xf32, #tpu.memory_space<vmem>>) dst(%dma_wait3A_273 : memref<8x8x128xf32, #tpu.memory_space<hbm>>)
    return
  }
}

</mosaic_0001>

<sc_bundles>
// kernel: kernel.3.cloned.1.call-start
scs
__scs_entry_jumppad:
0x0: {  	(pc) =	sbr.rel $0x88, $3  }
0x1: {  	(tag) =	ssettag $0x0;
	lr =	simm.s32 $0x1  }
0x2: {  	[smem:$0x3F9E] =	sst lr;
	_ =	strace $0xD0000000  }
0x3: {  	_ = 	snop  }
0x4: {  	_ = 	snop  }
0x5: {  	_ = 	snop  }
0x6: {  	_ = 	snop  }
0x7: {  	_ = 	snop  }
__scs_overlays_trampoline_lowered:
0x8: {  	[smem:$0x3FAD] =	sst s0  }
0x9: {  	[smem:$0x3FAE] =	sst s1  }
0xa: {  	[smem:$0x3FAF] =	sst s2  }
0xb: {  	[smem:$0x3FB0] =	sst s3  }
0xc: {  	[smem:$0x3FB1] =	sst s4  }
0xd: {  	[smem:$0x3FB2] =	sst s5  }
0xe: {  	[smem:$0x3FB3] =	sst s6  }
0xf: {  	[smem:$0x3FB4] =	sst s7  }
0x10: {  	[smem:$0x3FB5] =	sst s8  }
0x11: {  	[smem:$0x3FB6] =	sst s9;
	s0 =	simm.s32 @!p0 $0x0  }
0x12: {  	s1 =	sld [smem:$0x3F9C];
	s0 =	simm.s32 @p0 $0x1  }
0x13: {  	[smem:$0x3FB7] =	sst s0;
	s0 =	simm.s32 @!p1 $0x0  }
0x14: {  	s2 =	sld [smem:$0x3F9B];
	s0 =	simm.s32 @p1 $0x1  }
0x15: {  	[smem:$0x3FB8] =	sst s0;
	s0 =	simm.s32 @!p2 $0x0  }
0x16: {  	s3 =	sld [smem:$0x3FDB];
	s0 =	simm.s32 @p2 $0x1  }
0x17: {  	s4 =	simm.s32 $0x1BF5;
	[smem:$0x3FBA] =	sst s0  }
0x18: {  	s0 =	sld [smem:$0x3F9D];
	_ =	swait.ge [sflag:s4], $0x0  }
0x19: {  	s7 =	sld [smem:$0x3F9E]  }
0x1a: {  	s8 =	sadd.s32 $0xFFFFE003, lr  }
0x1b: {  	s9 =	sadd.s32 $0xFFFFFEF7, lr;
	s5 =	simm.s32 $0xFFFFFFFF;
	p2 =	slt.u32 s8, $0xFFFFF086  }
0x1c: {  	p1 =	slt.u32 s9, $0xF7A;
	s5 =	simm.s32 @!p2 $0x0  }
0x1d: {  	s5 =	simm.s32 @p1 $0x1;
	p0 =	seq.s32 s7, s2  }
0x1e: {  	s7 =	smul.u32 @!p0 $0xF7A, s2;
	p2 =	seq.s32 @!p0 s5, $0x0  }
0x1f: {  	s9 =	smul.u32 $0xF7A, s1;
	s8 =	simm.s32 @!p0 $0x1BF5;
	p2 =	por !p2, p0  }
0x20: {  	[sflag:s8] =	ssyncset.s32 @!p0 $0xFFFFF086;
	s6 =	sadd.s32 @!p0 s3, s7;
	s7 =	simm.s32 @!p0 $0x108  }
0x21: {  	s3 =	sadd.s32 s3, s9;
	s6 =	sadd.s32 @!p0 $0x88, s6;
	s7 =	simm.s32 @p2 $0x1082  }
0x22: {  	[simem:s7], [sflag:s8] =	dma.local @!p0 [hbm:s6], $0xF7A  }
0x23: {  	s9 =	sor.u32 $0xD0000000, s2;
	s6 =	simm.s32 $0x108;
	_ =	swait.ge @!p0 [sflag:s8], $0x0  }
0x24: {  	s3 =	sadd.s32 $0x88, s3;
	s6 =	simm.s32 @!p1 $0x1082;
	[sflag:s4] =	ssyncset.s32 $0xFFFFF086  }
0x25: {  	[simem:s6], [sflag:s4] =	dma.local [hbm:s3], $0xF7A  }
0x26: {  	[smem:$0x3F9E] =	sst s1;
	(tag) =	ssettag s2;
	_ =	strace s9  }
0x27: {  	s1 =	sld [smem:$0x3FAE]  }
0x28: {  	s2 =	sld [smem:$0x3FAF]  }
0x29: {  	s4 =	sld [smem:$0x3FB1]  }
0x2a: {  	p0 =	seq.s32 s5, $0x0;
	s5 =	sld [smem:$0x3FB2]  }
0x2b: {  	s6 =	sld [smem:$0x3FB3]  }
0x2c: {  	s7 =	sld [smem:$0x3FB4]  }
0x2d: {  	s3 =	simm.s32 $0x108;
	s8 =	sld [smem:$0x3FB5]  }
0x2e: {  	s3 =	simm.s32 @!p0 $0x1082;
	s9 =	sld [smem:$0x3FB6]  }
0x2f: {  	lr =	sadd.s32 s0, s3;
	s0 =	sld [smem:$0x3FAD]  }
0x30: {  	s3 =	sld [smem:$0x3FB0]  }
0x31: {  	[smem:$0x3FB9] =	sst s10  }
0x32: {  	s10 =	sld [smem:$0x3FB7];
	_ =	sdelay $0x3  }
0x33: {  	p0 =	seq.s32 s10, $0x1;
	s10 =	sld [smem:$0x3FB9];
	_ =	sdelay $0x3  }
0x34: {  	[smem:$0x3FB9] =	sst s10  }
0x35: {  	s10 =	sld [smem:$0x3FB8];
	_ =	sdelay $0x3  }
0x36: {  	p1 =	seq.s32 s10, $0x1;
	s10 =	sld [smem:$0x3FB9];
	_ =	sdelay $0x3  }
0x37: {  	[smem:$0x3FB9] =	sst s10  }
0x38: {  	s10 =	sld [smem:$0x3FBA]  }
0x39: {  	_ = 	snop;
	(pc) =	sbr.ind lr, $3  }
0x3a: {  	_ = 	snop  }
0x3b: {  	_ = 	snop  }
0x3c: {  	p2 =	seq.s32 s10, $0x1;
	s10 =	sld [smem:$0x3FB9]  }
0x3d: {  	_ =	shalt  }
0x3e: {  	_ =	shalt  }
0x3f: {  	_ =	shalt  }
0x40: {  	_ =	shalt  }
0x41: {  	_ =	shalt  }
0x42: {  	_ =	shalt  }
0x43: {  	_ =	shalt  }
0x44: {  	_ =	shalt  }
0x45: {  	_ =	shalt  }
0x46: {  	_ =	shalt  }
0x47: {  	_ =	shalt  }
0x48: {  	_ =	shalt  }
0x49: {  	_ =	shalt  }
0x4a: {  	_ =	shalt  }
0x4b: {  	_ =	shalt  }
0x4c: {  	_ =	shalt  }
0x4d: {  	_ =	shalt  }
0x4e: {  	_ =	shalt  }
0x4f: {  	_ =	shalt  }
0x50: {  	_ =	shalt  }
0x51: {  	_ =	shalt  }
0x52: {  	_ =	shalt  }
0x53: {  	_ =	shalt  }
0x54: {  	_ =	shalt  }
0x55: {  	_ =	shalt  }
0x56: {  	_ =	shalt  }
0x57: {  	_ =	shalt  }
0x58: {  	_ =	shalt  }
0x59: {  	_ =	shalt  }
0x5a: {  	_ =	shalt  }
0x5b: {  	_ =	shalt  }
0x5c: {  	_ =	shalt  }
0x5d: {  	_ =	shalt  }
0x5e: {  	_ =	shalt  }
0x5f: {  	_ =	shalt  }
0x60: {  	_ =	shalt  }
0x61: {  	_ =	shalt  }
0x62: {  	_ =	shalt  }
0x63: {  	_ =	shalt  }
0x64: {  	_ =	shalt  }
0x65: {  	_ =	shalt  }
0x66: {  	_ =	shalt  }
0x67: {  	_ =	shalt  }
0x68: {  	_ =	shalt  }
0x69: {  	_ =	shalt  }
0x6a: {  	_ =	shalt  }
0x6b: {  	_ =	shalt  }
0x6c: {  	_ =	shalt  }
0x6d: {  	_ =	shalt  }
0x6e: {  	_ =	shalt  }
0x6f: {  	_ =	shalt  }
0x70: {  	_ =	shalt  }
0x71: {  	_ =	shalt  }
0x72: {  	_ =	shalt  }
0x73: {  	_ =	shalt  }
0x74: {  	_ =	shalt  }
0x75: {  	_ =	shalt  }
0x76: {  	_ =	shalt  }
0x77: {  	_ =	shalt  }
0x78: {  	_ =	shalt  }
0x79: {  	_ =	shalt  }
0x7a: {  	_ =	shalt  }
0x7b: {  	_ =	shalt  }
0x7c: {  	_ =	shalt  }
0x7d: {  	_ =	shalt  }
0x7e: {  	_ =	shalt  }
0x7f: {  	_ =	shalt  }
0x80: {  	_ =	shalt  }
0x81: {  	_ =	shalt  }
0x82: {  	_ =	shalt  }
0x83: {  	_ =	shalt  }
0x84: {  	_ =	shalt  }
0x85: {  	_ =	shalt  }
0x86: {  	_ =	shalt  }
0x87: {  	_ =	shalt  }
.Lfunc_end0:
.L_simem_size_0:
called_computation_lowered:
.L_overlay_start_0:
0x88: {  	s2 =	sld [smem:$0x3FD9]  }
0x89: {  	s3 =	sld [smem:$0x3FFE];
	_ =	sdelay $0x1  }
0x8a: {  	s1 =	srdreg.scid  }
0x8b: {  	s0 =	sand.u32 $0x1, s1  }
0x8c: {  	s17 =	sshll.u32 s0, $0xA;
	s2 =	sadd.s32 s3, s2  }
0x8d: {  	s2 =	sadd.s32 s2, s17  }
0x8e: {  	[smem:$0x3FC5] =	sst s2  }
0x8f: {  	_ = 	snop  }
0x90: {  	s2 =	sld [smem:$0x3FC9]  }
0x91: {  	s18 =	sld [smem:$0x3FD0];
	(tm) =	ssettm $0x1  }
0x92: {  	s4 =	sld [smem:$0x3FFB];
	_ =	sdelay $0x3  }
0x93: {  	_ =	strace s4  }
0x94: {  	s4 =	sld [smem:$0x3FFC];
	_ =	sdelay $0x3  }
0x95: {  	_ =	strace s4  }
0x96: {  	s4 =	sld [smem:$0x3FFD];
	_ =	sdelay $0x3  }
0x97: {  	_ =	strace s4  }
0x98: {  	_ =	strace $0x8FFFFFFF  }
0x99: {  	s19 =	sld [smem:$0x3FDB];
	_ =	sdelay $0x1  }
0x9a: {  	s5 =	simm.s32 $_scs_section_size  }
0x9b: {  	s6 =	simm.s32 $_size__tile_overlayer_lowered;
	s7 =	simm.s32 $_tile_overlayer_lowered  }
0x9c: {  	s22 =	simm.s32 $0x1BFF;
	s21 =	sshll.u32 s7, $0x1;
	s4 =	sadd.s32 s5, s19  }
0x9d: {  	s8 =	simm.s32 $0x0;
	s20 =	sshll.u32 s6, $0x1;
	s6 =	sadd.s32 s21, s4  }
0x9e: {  	[timem:s8], [sflag:s22] =	dma.local [hbm:s6], s20  }
0x9f: {  	_ =	swait.ge [sflag:s22], s20  }
0xa0: {  	s5 =	ssub.s32 $0x0, s20;
	[sflag:s22] =	ssyncset.done $0x0  }
0xa1: {  	[sflag:s22] =	ssyncadd.s32 s5;
	_ =	sdelay $0x1  }
0xa2: {  	s23 =	simm.s32 $0x1B8B  }
0xa3: {  	_ =	swait.ge [sflag:s23], $0x1  }
0xa4: {  	[sflag:s23] =	ssyncset.done $0x0  }
0xa5: {  	s25 =	simm.s32 $0x1B8E;
	s24 =	sld [smem:$0x3FFE];
	[sflag:s23] =	ssyncadd.s32 $0xFFFFFFFF  }
0xa6: {  	s26 =	simm.s32 $execute0_lowered;
	[smem:$0x3FD2] =	sst s25  }
0xa7: {  	s6 =	sshll.u32 s26, $0x1;
	_ =	strace $0x80000046;
	[dreg:$0x1] =	wrdreg $0xFFFFFFFF  }
0xa8: {  	s28 =	simm.s32 $_size_execute0_lowered;
	s4 =	sadd.s32 s4, s6;
	[dreg:$0x0] =	wrdreg $0x0  }
0xa9: {  	s6 =	sshll.u32 s28, $0x1;
	[dreg:$0x2] =	wrdreg s4  }
0xaa: {  	[dreg:$0x3] =	wrdreg s6  }
0xab: {  	[dreg:$0x4] =	wrdreg $0xC0  }
0xac: {  	_ =	task [dreg:s8], $0x5FFFF  }
0xad: {  	[dreg:$0x1] =	wrdreg $0xFFFFFFFF  }
0xae: {  	[dreg:$0x0] =	wrdreg $0x60  }
0xaf: {  	[dreg:$0x2] =	wrdreg s2  }
0xb0: {  	[dreg:$0x3] =	wrdreg s24  }
0xb1: {  	[dreg:$0x4] =	wrdreg s18  }
0xb2: {  	[dreg:$0x5] =	wrdreg $0x9  }
0xb3: {  	_ =	task.clear_ibuf [dreg:s8], $0x6FFFF;
	_ =	strace $0x90000046  }
0xb4: {  	s29 =	simm.s32 $0x9;
	_ =	strace $0x80000048  }
0xb5: {  	_ =	swait.ge [sflag:s29], $0x1  }
0xb6: {  	[sflag:s29] =	ssyncadd.s32 $0xFFFFFFFF  }
0xb7: {  	_ =	strace $0x90000048  }
0xb8: {  	_ =	sfence  }
0xb9: {  	s30 =	sld [smem:$0x0];
	_ =	sdelay $0x2  }
0xba: {  	s31 =	sshll.u32 s1, $0xD;
	s1 =	sshrl.u32 s1, $0x2  }
0xbb: {  	s3 =	sand.u32 $0x4000, s31;
	s1 =	sadd.s32 s1, s30  }
0xbc: {  	s0 =	sor.u32 s3, s0;
	s1 =	sshll.u32 s1, $0x11  }
0xbd: {  	s0 =	sor.u32 s1, s0  }
0xbe: {  	s0 =	sadd.s32 $0x8F2B, s0  }
0xbf: {  	[sflag:s0] =	ssyncadd.remote.s32 $0x1  }
0xc0: {  	_ =	sfence.sel $0xFFFF  }
0xc1: {  	[dreg:$0x0] =	wrdreg $0xFFFFFFFF;
	(pc) =	sbr.abs _section_cstart, $3  }
0xc2: {  	[dreg:$0x1] =	wrdreg $0xFFFFFFFF  }
0xc3: {  	_ =	task.clear_ibuf [dreg:s8], $0x2FFFF;
	_ =	strace $0x9FFFFFFF  }
0xc4: {  	(tm) =	ssettm $0x7FFFFFFF  }
0xc5: {  	_ =	shalt  }
tec
execute0_lowered:
.L_overlay_start_1:
0x0: {  	(tag) =	ssettag $0x1  }
0x1: {  	s7 =	rddreg [dreg:$0x0]  }
0x2: {  	s6 =	rddreg [dreg:$0x1]  }
0x3: {  	s2 =	rddreg [dreg:$0x2]  }
0x4: {  	s0 =	rddreg [dreg:$0x3]  }
0x5: {  	s4 =	srdreg.scid;
	s3 =	simm.s32 $0x0;
	s1 =	stileid.u32  }
0x6: {  	s12 =	simm.s32 $0x5;
	s13 =	simm.s32 $0xE400;
	s14 =	simm.s32 $0x80  }
0x7: {  	s15 =	simm.s32 $0x6400;
	s16 =	simm.s32 $0x8400;
	s17 =	simm.s32 $0xA400  }
0x8: {  	s18 =	simm.s32 $0x2;
	s19 =	simm.s32 $0xC400;
	s20 =	simm.s32 $0x3  }
0x9: {  	s21 =	simm.s32 $0x4;
	s22 =	simm.s32 $0x1;
	s23 =	simm.s32 $0x0  }
0xa: {  	s8 =	sand.u32 $0x1, s4;
	[smem:$0x7FF] =	sst s3;
	s31 =	sshll.u32 s1, $0xB  }
0xb: {  	s5 =	sshll.u32 s8, $0xA;
	_ =	strace $0x80000047;
	s8 =	ssub.s32 $0x2, s8  }
0xc: {  	v0 =	vlaneseq.u32;
	s4 =	sor.u32 s5, s31;
	s5 =	sadd.s32 $0x600, s6;
	s10 =	sshrl.u32 s8, $0x1  }
0xd: {  	v0 =	vmul.u32 $0x80, v0;
	s6 =	sadd.s32 $0xF42A00, s6;
	s9 =	sshrl.u32 s4, $0x3;
	s10 =	ssub.s32 s8, s10  }
0xe: {  	s11 =	sadd.s32 s9, s2;
	s7 =	sadd.s32 s7, s9;
	s9 =	smax.u32 s10, $0x1  }
0xf: {  	v1 =	vor.u32 $0x800, v0;
	v2 =	vor.u32 $0x1000, v0;
	v3 =	vor.u32 $0x1800, v0;
	s10 =	simm.s32 $0x400;
	s8 =	sadd.s32 $0x638000, s11;
	s11 =	simm.s32 $0x8000  }
.LBB2_1:
0x10: {  	[tilespmem:s3], [sflag:$0x5] =	stream.strided.gather [hbm4b:s7+s10], $0x6400, s11, s10, $0x38;
	[tilespmem:$0x11600] =	vst v63  }
0x11: {  	_ =	swait.ge [sflag:s12], $0x6400  }
0x12: {  	[sflag:s12] =	ssyncset.done $0x0  }
0x13: {  	[sflag:s12] =	ssyncadd.s32 $0xFFFF9C00  }
0x14: {  	[tilespmem:s13], [sflag:$0x5] =	stream.linear.gather [hbm4b:s5+s3], $0x3200, $0x38;
	[tilespmem:$0x11600] =	vst v63  }
0x15: {  	_ =	swait.ge [sflag:s12], $0x3200  }
0x16: {  	[sflag:s12] =	ssyncset.done $0x0  }
0x17: {  	s24 =	simm.s32 $0x0;
	[sflag:s12] =	ssyncadd.s32 $0xFFFFCE00  }
.LBB2_2:
0x18: {  	p0 =	seq.s32 s24, $0x0  }
.Ltmp0:
0x19: {  	s25 =	simm.s32 @!p0 $0x3;
	(pc) =	sbr.rel @p0 .LBB2_3-.Ltmp0, $4  }
0x1a: {  	_ =	swait.ge @!p0 [sflag:s25], $0x2000  }
0x1b: {  	s26 =	sshll.u32 s24, $0x8;
	[sflag:s25] =	ssyncset.done @!p0 $0x0  }
0x1c: {  	[sflag:s25] =	ssyncadd.s32 @!p0 $0xFFFFE000;
	s25 =	sand.u32 $0x7F00, s26  }
0x1d: {  	[tilespmem:s15], [sflag:$0x1] =	stream.indirect.gather [hbm4b:s6+s14], $0x40, s25, s14, $0xb8;
	[tilespmem:$0x11600] =	vst v63  }
0x1e: {  	s26 =	sshll.u32 s24, $0x1  }
0x1f: {  	s29 =	simm.s32 $0x3;
	s26 =	sadd.s32 $0xFFFFFFFF, s26  }
0x20: {  	v4 =	vmov s29;
	s29 =	simm.s32 $0x8480;
	s28 =	sshll.u32 s26, $0x8  }
0x21: {  	v4 =	vand.u32 $0x7F, v4;
	v8 =	vld [tilespmem:s29+$0x40];
	s28 =	sshra.s32 s28, $0x2  }
0x22: {  	s30 =	simm.s32 $0x1;
	v12 =	vbroadcast v4, $0x0;
	v7 =	vld [tilespmem:s28+$0xE400]  }
0x23: {  	v4 =	vmov s30;
	s30 =	simm.s32 $0x2  }
0x24: {  	v11 =	vld [tilespmem:s29+$0xFFFFFFC0];
	v9 =	vmov s30;
	v4 =	vand.u32 $0x7D, v4;
	v10 =	vor.u32 v0, v12  }
0x25: {  	v16 =	vld [tilespmem:s29+$0x0];
	s30 =	simm.s32 $0x0;
	v9 =	vand.u32 $0x7E, v9;
	v13 =	vbroadcast v4, $0x0  }
0x26: {  	v6 =	vld [tilespmem:s28+$0xE410];
	v15 =	vmov s30;
	v14 =	vbroadcast v9, $0x0  }
0x27: {  	v5 =	vld [tilespmem:s28+$0xE420];
	v9 =	vand.u32 $0x7C, v15;
	v17 =	vor.u32 v0, v13;
	v8 =	vadd.f32 v8, v7  }
0x28: {  	v15 =	vbroadcast v9, $0x0;
	v9 =	vld [tilespmem:s29+$0xFFFFFF80]  }
0x29: {  	v4 =	vld [tilespmem:s28+$0xE430];
	v18 =	vor.u32 v0, v14;
	[tilespmem:v10+s19+$0x0] =	vst.idx.msk $0xffff, v8  }
0x2a: {  	v8 =	vor.u32 v0, v15;
	v10 =	vadd.f32 v11, v7;
	v11 =	vld [tilespmem:s29+$0x50];
	_ =	sdelay $0x1  }
0x2b: {  	v16 =	vadd.f32 v16, v7;
	[tilespmem:v17+s19+$0x0] =	vst.idx.msk $0xffff, v10;
	v10 =	vor.u32 v1, v12  }
0x2c: {  	s28 =	simm.s32 $0x4;
	s30 =	simm.s32 $0x5;
	v9 =	vadd.f32 v9, v7;
	v17 =	vld [tilespmem:s29+$0xFFFFFFD0]  }
0x2d: {  	v27 =	vor.u32 v2, v12;
	v19 =	vmov s30;
	[tilespmem:v18+s19+$0x0] =	vst.idx.msk $0xffff, v16;
	v16 =	vmov s28;
	s28 =	simm.s32 $0x7  }
0x2e: {  	s30 =	simm.s32 $0x6;
	v20 =	vor.u32 v1, v13;
	v18 =	vld [tilespmem:s29+$0x10];
	[tilespmem:v8+s19+$0x0] =	vst.idx.msk $0xffff, v9;
	v8 =	vadd.f32 v11, v6;
	v11 =	vmov s28  }
0x2f: {  	v21 =	vmov s30;
	v9 =	vand.u32 $0x7C, v16;
	v16 =	vld [tilespmem:s29+$0xFFFFFF90];
	s28 =	simm.s32 $0x8580;
	v11 =	vand.u32 $0x7F, v11  }
0x30: {  	v30 =	vor.u32 v2, v13;
	v22 =	vor.u32 v1, v14;
	v23 =	vld [tilespmem:s28+$0x40];
	[tilespmem:v10+s19+$0x0] =	vst.idx.msk $0xffff, v8;
	v8 =	vbroadcast v11, $0x0  }
0x31: {  	v21 =	vand.u32 $0x7E, v21;
	v24 =	vor.u32 v1, v15;
	v11 =	vadd.f32 v17, v6;
	v17 =	vld [tilespmem:s29+$0x60]  }
0x32: {  	v9 =	vbroadcast v9, $0x0;
	v10 =	vand.u32 $0x7D, v19;
	v19 =	vld [tilespmem:s28+$0xFFFFFF80];
	v25 =	vor.u32 v0, v8  }
0x33: {  	v32 =	vor.u32 v2, v14;
	v26 =	vld [tilespmem:s28+$0xFFFFFFC0];
	v18 =	vadd.f32 v18, v6;
	v10 =	vbroadcast v10, $0x0  }
0x34: {  	v28 =	vld [tilespmem:s28+$0x0];
	[tilespmem:v20+s19+$0x0] =	vst.idx.msk $0xffff, v11;
	v20 =	vor.u32 v0, v9;
	v11 =	vbroadcast v21, $0x0;
	v16 =	vadd.f32 v16, v6  }
0x35: {  	[tilespmem:v22+s19+$0x0] =	vst.idx.msk $0xffff, v18;
	v18 =	vor.u32 v0, v10;
	v21 =	vadd.f32 v23, v7;
	v23 =	vld [tilespmem:s29+$0xFFFFFFE0]  }
0x36: {  	[tilespmem:v24+s19+$0x0] =	vst.idx.msk $0xffff, v16;
	v16 =	vor.u32 v0, v11;
	v24 =	vld [tilespmem:s29+$0x20];
	v17 =	vadd.f32 v17, v5  }
0x37: {  	v33 =	vor.u32 v2, v15;
	v19 =	vadd.f32 v19, v7;
	v29 =	vld [tilespmem:s29+$0xFFFFFFA0];
	[tilespmem:v25+s19+$0x0] =	vst.idx.msk $0xffff, v21  }
0x38: {  	v22 =	vadd.f32 v26, v7;
	v26 =	vor.u32 v1, v10;
	v31 =	vld [tilespmem:s28+$0x50];
	[tilespmem:v27+s19+$0x0] =	vst.idx.msk $0xffff, v17  }
0x39: {  	[tilespmem:v20+s19+$0x0] =	vst.idx.msk $0xffff, v19;
	v19 =	vadd.f32 v28, v7;
	v25 =	vor.u32 v1, v9;
	v34 =	vld [tilespmem:s29+$0x70]  }
0x3a: {  	s30 =	simm.s32 $0x8;
	v21 =	vld [tilespmem:s28+$0xFFFFFF90];
	[tilespmem:v18+s19+$0x0] =	vst.idx.msk $0xffff, v22;
	v22 =	vor.u32 v1, v8;
	v18 =	vadd.f32 v23, v5  }
0x3b: {  	v17 =	vmov s30;
	s30 =	simm.s32 $0x9;
	v20 =	vld [tilespmem:s28+$0xFFFFFFD0];
	[tilespmem:v16+s19+$0x0] =	vst.idx.msk $0xffff, v19;
	v19 =	vadd.f32 v24, v5;
	v24 =	vor.u32 v3, v12  }
0x3c: {  	v17 =	vand.u32 $0x7C, v17;
	v23 =	vmov s30;
	s30 =	simm.s32 $0xA;
	v16 =	vld [tilespmem:s28+$0x10];
	v29 =	vadd.f32 v29, v5;
	[tilespmem:v30+s19+$0x0] =	vst.idx.msk $0xffff, v18  }
0x3d: {  	v27 =	vmov s30;
	v12 =	vbroadcast v17, $0x0;
	s30 =	simm.s32 $0xB;
	v17 =	vld [tilespmem:s29+$0xFFFFFFF0];
	[tilespmem:v32+s19+$0x0] =	vst.idx.msk $0xffff, v19;
	v28 =	vadd.f32 v31, v6  }
0x3e: {  	v30 =	vmov s30;
	s30 =	simm.s32 $0xC;
	v18 =	vor.u32 v1, v11;
	[tilespmem:v33+s19+$0x0] =	vst.idx.msk $0xffff, v29;
	v19 =	vld [tilespmem:s29+$0x30];
	v29 =	vadd.f32 v34, v4  }
.LBB2_5:
0x3f: {  	p0 =	slt.u32 s30, $0x7C;
	v30 =	vand.u32 $0x7F, v30;
	v21 =	vadd.f32 v21, v6;
	[tilespmem:v22+s19+$0x0] =	vst.idx.msk $0xffff, v28;
	v22 =	vld [tilespmem:s29+$0xFFFFFFB0];
	v13 =	vor.u32 v3, v13;
	s29 =	smov.u32 s28;
	s28 =	sadd.s32 $0x100, s28  }
0x40: {  	v14 =	vor.u32 v3, v14;
	v28 =	vld [tilespmem:s28+$0x40];
	v30 =	vbroadcast v30, $0x0;
	v20 =	vadd.f32 v20, v6;
	[tilespmem:v24+s19+$0x0] =	vst.idx.msk $0xffff, v29  }
0x41: {  	v23 =	vand.u32 $0x7D, v23;
	v15 =	vor.u32 v3, v15;
	[tilespmem:v25+s19+$0x0] =	vst.idx.msk $0xffff, v21;
	v16 =	vadd.f32 v16, v6;
	v21 =	vld [tilespmem:s29+$0x60]  }
0x42: {  	v25 =	vand.u32 $0x7E, v27;
	v24 =	vld [tilespmem:s28+$0xFFFFFF80];
	v27 =	vor.u32 v0, v30;
	[tilespmem:v26+s19+$0x0] =	vst.idx.msk $0xffff, v20;
	v17 =	vadd.f32 v17, v4  }
0x43: {  	v23 =	vbroadcast v23, $0x0;
	v20 =	vld [tilespmem:s28+$0xFFFFFFC0];
	[tilespmem:v18+s19+$0x0] =	vst.idx.msk $0xffff, v16;
	v16 =	vor.u32 v2, v8;
	v18 =	vadd.f32 v19, v4  }
0x44: {  	v25 =	vbroadcast v25, $0x0;
	v19 =	vor.u32 v0, v12;
	v26 =	vld [tilespmem:s28+$0x0];
	v22 =	vadd.f32 v22, v4;
	[tilespmem:v13+s19+$0x0] =	vst.idx.msk $0xffff, v17  }
0x45: {  	v17 =	vor.u32 v0, v23;
	v13 =	vmov v10;
	v28 =	vadd.f32 v28, v7;
	v29 =	vld [tilespmem:s29+$0xFFFFFFE0];
	[tilespmem:v14+s19+$0x0] =	vst.idx.msk $0xffff, v18  }
0x46: {  	v10 =	vmov v23;
	v18 =	vor.u32 v0, v25;
	v31 =	vld [tilespmem:s29+$0x20];
	v21 =	vadd.f32 v21, v5;
	[tilespmem:v15+s19+$0x0] =	vst.idx.msk $0xffff, v22  }
0x47: {  	v32 =	vor.u32 v2, v13;
	v14 =	vmov v11;
	v22 =	vadd.f32 v24, v7;
	[tilespmem:v27+s19+$0x0] =	vst.idx.msk $0xffff, v28;
	v28 =	vld [tilespmem:s29+$0xFFFFFFA0]  }
0x48: {  	v11 =	vmov v25;
	v34 =	vor.u32 v2, v14;
	v20 =	vadd.f32 v20, v7;
	v33 =	vld [tilespmem:s28+$0x50];
	[tilespmem:v16+s19+$0x0] =	vst.idx.msk $0xffff, v21  }
0x49: {  	v35 =	vor.u32 v2, v9;
	v15 =	vmovc v9;
	v16 =	vmov s30;
	[tilespmem:v19+s19+$0x0] =	vst.idx.msk $0xffff, v22;
	v19 =	vadd.f32 v26, v7;
	v36 =	vld [tilespmem:s29+$0x70]  }
.Ltmp1:
0x4a: {  	s31 =	sadd.s32 $0x1, s30;
	v26 =	vand.u32 $0x7C, v16;
	v22 =	vor.u32 v1, v30;
	v21 =	vld [tilespmem:s28+$0xFFFFFF90];
	[tilespmem:v17+s19+$0x0] =	vst.idx.msk $0xffff, v20;
	v17 =	vadd.f32 v29, v5;
	(pc) =	sbr.rel @p0 .LBB2_5-.Ltmp1, $4  }
0x4b: {  	v23 =	vmov s31;
	s31 =	sadd.s32 $0x2, s30;
	v24 =	vor.u32 v3, v8;
	v8 =	vmovc v30;
	v20 =	vld [tilespmem:s28+$0xFFFFFFD0];
	[tilespmem:v18+s19+$0x0] =	vst.idx.msk $0xffff, v19;
	v18 =	vadd.f32 v31, v5  }
0x4c: {  	v25 =	vor.u32 v1, v12;
	v9 =	vmovc v12;
	v27 =	vmov s31;
	v16 =	vld [tilespmem:s28+$0x10];
	v19 =	vadd.f32 v28, v5;
	[tilespmem:v32+s19+$0x0] =	vst.idx.msk $0xffff, v17  }
0x4d: {  	s31 =	sadd.s32 $0x3, s30;
	v12 =	vbroadcast v26, $0x0;
	v26 =	vor.u32 v1, v10;
	v28 =	vadd.f32 v33, v6;
	v17 =	vld [tilespmem:s29+$0xFFFFFFF0];
	[tilespmem:v34+s19+$0x0] =	vst.idx.msk $0xffff, v18  }
0x4e: {  	s30 =	sadd.s32 $0x4, s30;
	v30 =	vmov s31;
	v18 =	vor.u32 v1, v11;
	[tilespmem:v35+s19+$0x0] =	vst.idx.msk $0xffff, v19;
	v19 =	vld [tilespmem:s29+$0x30];
	v29 =	vadd.f32 v36, v4  }
0x4f: {  	v30 =	vand.u32 $0x7F, v30;
	s30 =	sadd.s32 $0x100, s28  }
0x50: {  	v23 =	vand.u32 $0x7D, v23;
	v31 =	vld [tilespmem:s30+$0x40];
	v30 =	vbroadcast v30, $0x0  }
0x51: {  	v27 =	vand.u32 $0x7E, v27;
	v32 =	vld [tilespmem:s30+$0xFFFFFFC0];
	v23 =	vbroadcast v23, $0x0  }
0x52: {  	v34 =	vld [tilespmem:s30+$0x0];
	v27 =	vbroadcast v27, $0x0;
	v33 =	vor.u32 v0, v30  }
0x53: {  	v21 =	vadd.f32 v21, v6;
	[tilespmem:v22+s19+$0x0] =	vst.idx.msk $0xffff, v28;
	v39 =	vld [tilespmem:s30+$0xFFFFFF80];
	v40 =	vor.u32 v0, v23  }
0x54: {  	[tilespmem:v24+s19+$0x0] =	vst.idx.msk $0xffff, v29;
	v20 =	vadd.f32 v20, v6;
	v41 =	vor.u32 v0, v27  }
0x55: {  	v42 =	vor.u32 v0, v12;
	[tilespmem:v25+s19+$0x0] =	vst.idx.msk $0xffff, v21;
	v43 =	vadd.f32 v31, v7  }
0x56: {  	[tilespmem:v26+s19+$0x0] =	vst.idx.msk $0xffff, v20;
	v44 =	vadd.f32 v32, v7  }
0x57: {  	v45 =	vld [tilespmem:s29+$0xFFFFFFB0];
	v13 =	vor.u32 v3, v13;
	v46 =	vadd.f32 v34, v7;
	[tilespmem:v33+s19+$0x0] =	vst.idx.msk $0xffff, v43  }
0x58: {  	v14 =	vor.u32 v3, v14;
	v47 =	vadd.f32 v39, v7;
	[tilespmem:v40+s19+$0x0] =	vst.idx.msk $0xffff, v44;
	v48 =	vld [tilespmem:s30+$0x50]  }
0x59: {  	v15 =	vor.u32 v3, v15;
	v16 =	vadd.f32 v16, v6;
	[tilespmem:v41+s19+$0x0] =	vst.idx.msk $0xffff, v46;
	v20 =	vld [tilespmem:s30+$0xFFFFFFD0]  }
0x5a: {  	v17 =	vadd.f32 v17, v4;
	v49 =	vor.u32 v1, v30;
	[tilespmem:v42+s19+$0x0] =	vst.idx.msk $0xffff, v47;
	v50 =	vld [tilespmem:s30+$0x10]  }
0x5b: {  	v53 =	vor.u32 v1, v23;
	[tilespmem:v18+s19+$0x0] =	vst.idx.msk $0xffff, v16;
	v51 =	vadd.f32 v19, v4;
	v52 =	vld [tilespmem:s30+$0xFFFFFF90]  }
0x5c: {  	v54 =	vld [tilespmem:s28+$0x60];
	v55 =	vor.u32 v1, v27;
	v25 =	vadd.f32 v45, v4;
	[tilespmem:v13+s19+$0x0] =	vst.idx.msk $0xffff, v17  }
0x5d: {  	v57 =	vor.u32 v1, v12;
	v56 =	vld [tilespmem:s28+$0xFFFFFFE0];
	[tilespmem:v14+s19+$0x0] =	vst.idx.msk $0xffff, v51;
	v58 =	vadd.f32 v48, v6  }
0x5e: {  	v59 =	vor.u32 v2, v8;
	v60 =	vld [tilespmem:s28+$0x20];
	[tilespmem:v15+s19+$0x0] =	vst.idx.msk $0xffff, v25;
	v61 =	vadd.f32 v20, v6  }
0x5f: {  	v63 =	vor.u32 v2, v10;
	v62 =	vld [tilespmem:s28+$0xFFFFFFA0];
	v21 =	vadd.f32 v50, v6;
	[tilespmem:v49+s19+$0x0] =	vst.idx.msk $0xffff, v58  }
0x60: {  	v28 =	vor.u32 v2, v11;
	v29 =	vadd.f32 v52, v6;
	[tilespmem:v53+s19+$0x0] =	vst.idx.msk $0xffff, v61;
	v31 =	vld [tilespmem:s30+$0x60]  }
0x61: {  	v32 =	vadd.f32 v54, v5;
	v33 =	vor.u32 v2, v9;
	[tilespmem:v55+s19+$0x0] =	vst.idx.msk $0xffff, v21;
	v34 =	vld [tilespmem:s30+$0xFFFFFFE0]  }
0x62: {  	v36 =	vor.u32 v2, v30;
	v35 =	vadd.f32 v56, v5;
	[tilespmem:v57+s19+$0x0] =	vst.idx.msk $0xffff, v29;
	v37 =	vld [tilespmem:s30+$0x20]  }
0x63: {  	[tilespmem:v59+s19+$0x0] =	vst.idx.msk $0xffff, v32;
	v40 =	vor.u32 v2, v23;
	v38 =	vadd.f32 v60, v5;
	v39 =	vld [tilespmem:s30+$0xFFFFFFA0]  }
0x64: {  	v41 =	vor.u32 v2, v27;
	v22 =	vld [tilespmem:s28+$0x70];
	[tilespmem:v63+s19+$0x0] =	vst.idx.msk $0xffff, v35;
	v20 =	vadd.f32 v62, v5  }
0x65: {  	v44 =	vor.u32 v2, v12;
	v42 =	vld [tilespmem:s28+$0xFFFFFFF0];
	[tilespmem:v28+s19+$0x0] =	vst.idx.msk $0xffff, v38;
	v43 =	vadd.f32 v31, v5  }
0x66: {  	v45 =	vor.u32 v3, v8;
	v46 =	vld [tilespmem:s28+$0x30];
	[tilespmem:v33+s19+$0x0] =	vst.idx.msk $0xffff, v20;
	v7 =	vadd.f32 v34, v5  }
0x67: {  	v47 =	vor.u32 v3, v10;
	v19 =	vld [tilespmem:s28+$0xFFFFFFB0];
	v48 =	vadd.f32 v37, v5;
	[tilespmem:v36+s19+$0x0] =	vst.idx.msk $0xffff, v43  }
0x68: {  	v49 =	vor.u32 v3, v11;
	v5 =	vadd.f32 v39, v5;
	[tilespmem:v40+s19+$0x0] =	vst.idx.msk $0xffff, v7;
	v50 =	vld [tilespmem:s30+$0x70]  }
0x69: {  	v51 =	vadd.f32 v22, v4;
	v52 =	vor.u32 v3, v9;
	[tilespmem:v41+s19+$0x0] =	vst.idx.msk $0xffff, v48;
	v53 =	vld [tilespmem:s30+$0xFFFFFFF0]  }
0x6a: {  	v55 =	vor.u32 v3, v30;
	v54 =	vadd.f32 v42, v4;
	[tilespmem:v44+s19+$0x0] =	vst.idx.msk $0xffff, v5;
	v5 =	vld [tilespmem:s30+$0x30]  }
0x6b: {  	[tilespmem:v45+s19+$0x0] =	vst.idx.msk $0xffff, v51;
	v58 =	vor.u32 v3, v23;
	v56 =	vadd.f32 v46, v4;
	v57 =	vld [tilespmem:s30+$0xFFFFFFB0]  }
0x6c: {  	v60 =	vor.u32 v3, v27;
	[tilespmem:v47+s19+$0x0] =	vst.idx.msk $0xffff, v54;
	v59 =	vadd.f32 v19, v4  }
0x6d: {  	v62 =	vor.u32 v3, v12;
	[tilespmem:v49+s19+$0x0] =	vst.idx.msk $0xffff, v56;
	v61 =	vadd.f32 v50, v4  }
0x6e: {  	[tilespmem:v52+s19+$0x0] =	vst.idx.msk $0xffff, v59;
	v63 =	vadd.f32 v53, v4  }
0x6f: {  	s26 =	sshll.u32 s26, $0x12;
	v5 =	vadd.f32 v5, v4;
	[tilespmem:v55+s19+$0x0] =	vst.idx.msk $0xffff, v61  }
0x70: {  	s26 =	sor.u32 s4, s26;
	v4 =	vadd.f32 v57, v4;
	[tilespmem:v58+s19+$0x0] =	vst.idx.msk $0xffff, v63  }
0x71: {  	s26 =	sshrl.u32 s26, $0x3;
	[tilespmem:v60+s19+$0x0] =	vst.idx.msk $0xffff, v5  }
.Ltmp2:
0x72: {  	s26 =	sadd.s32 s2, s26;
	[tilespmem:v62+s19+$0x0] =	vst.idx.msk $0xffff, v4;
	(pc) =	sbr.rel .LBB2_7-.Ltmp2, $4  }
0x73: {  	[hbm4b:s26+s10] =	stream.strided.scatter [tilespmem:s19], [sflag:$0x4], $0x2000, s11, s10, $0x38;
	[tilespmem:$0x11600] =	vst v63  }
0x74: {  	_ =	swait.ge [sflag:s22], $0x2000  }
0x75: {  	[sflag:s22] =	ssyncset.done $0x0  }
0x76: {  	s26 =	simm.s32 $0x4;
	[sflag:s22] =	ssyncadd.s32 $0xFFFFE000  }
.LBB2_3:
0x77: {  	s26 =	simm.s32 $0x1  }
.LBB2_7:
0x78: {  	_ =	swait.ge [sflag:s26], $0x2000  }
0x79: {  	s25 =	sadd.s32 $0x80, s25;
	[sflag:s26] =	ssyncset.done $0x0  }
0x7a: {  	s29 =	simm.s32 $0x3;
	[sflag:s26] =	ssyncadd.s32 $0xFFFFE000;
	s26 =	sshll.u32 s24, $0x7  }
0x7b: {  	[tilespmem:s16], [sflag:$0x2] =	stream.indirect.gather [hbm4b:s6+s14], $0x40, s25, s14, $0xb8;
	[tilespmem:$0x11600] =	vst v63  }
0x7c: {  	v4 =	vmov s29;
	s25 =	sand.u32 $0x3FFFFF80, s26  }
0x7d: {  	v4 =	vand.u32 $0x7F, v4;
	s26 =	simm.s32 $0x6480;
	v7 =	vld [tilespmem:s25+$0xE400]  }
0x7e: {  	s28 =	simm.s32 $0x1;
	v12 =	vbroadcast v4, $0x0;
	v8 =	vld [tilespmem:s26+$0x40]  }
0x7f: {  	v4 =	vmov s28;
	s28 =	simm.s32 $0x2  }
0x80: {  	v6 =	vld [tilespmem:s25+$0xE410];
	v9 =	vmov s28;
	v4 =	vand.u32 $0x7D, v4;
	v10 =	vor.u32 v0, v12  }
0x81: {  	s28 =	simm.s32 $0x0;
	v11 =	vld [tilespmem:s26+$0xFFFFFFC0];
	v9 =	vand.u32 $0x7E, v9;
	v13 =	vbroadcast v4, $0x0  }
0x82: {  	v5 =	vld [tilespmem:s25+$0xE420];
	v15 =	vmov s28;
	v14 =	vbroadcast v9, $0x0  }
0x83: {  	v16 =	vld [tilespmem:s26+$0x0];
	v9 =	vand.u32 $0x7C, v15;
	v17 =	vor.u32 v0, v13;
	v8 =	vadd.f32 v8, v7  }
0x84: {  	v15 =	vbroadcast v9, $0x0;
	v9 =	vld [tilespmem:s26+$0xFFFFFF80]  }
0x85: {  	v4 =	vld [tilespmem:s25+$0xE430];
	v18 =	vor.u32 v0, v14;
	[tilespmem:v10+s17+$0x0] =	vst.idx.msk $0xffff, v8  }
0x86: {  	v8 =	vor.u32 v0, v15;
	v10 =	vadd.f32 v11, v7;
	v11 =	vld [tilespmem:s26+$0x50];
	_ =	sdelay $0x1  }
0x87: {  	v16 =	vadd.f32 v16, v7;
	[tilespmem:v17+s17+$0x0] =	vst.idx.msk $0xffff, v10;
	v10 =	vor.u32 v1, v12  }
0x88: {  	s28 =	simm.s32 $0x5;
	v9 =	vadd.f32 v9, v7;
	v17 =	vld [tilespmem:s26+$0xFFFFFFD0]  }
0x89: {  	s30 =	simm.s32 $0x4;
	s31 =	simm.s32 $0x7;
	v27 =	vor.u32 v2, v12;
	v19 =	vmov s28;
	v20 =	vor.u32 v1, v13;
	[tilespmem:v18+s17+$0x0] =	vst.idx.msk $0xffff, v16  }
0x8a: {  	s28 =	simm.s32 $0x6;
	v16 =	vmov s30;
	v18 =	vld [tilespmem:s26+$0x10];
	[tilespmem:v8+s17+$0x0] =	vst.idx.msk $0xffff, v9;
	v8 =	vadd.f32 v11, v6;
	v11 =	vmov s31  }
0x8b: {  	s25 =	simm.s32 $0x6580;
	v21 =	vmov s28;
	v9 =	vand.u32 $0x7C, v16;
	v16 =	vld [tilespmem:s26+$0xFFFFFF90];
	v11 =	vand.u32 $0x7F, v11  }
0x8c: {  	v23 =	vld [tilespmem:s25+$0x40];
	v30 =	vor.u32 v2, v13;
	v22 =	vor.u32 v1, v14;
	[tilespmem:v10+s17+$0x0] =	vst.idx.msk $0xffff, v8;
	v8 =	vbroadcast v11, $0x0  }
0x8d: {  	v21 =	vand.u32 $0x7E, v21;
	v24 =	vor.u32 v1, v15;
	v11 =	vadd.f32 v17, v6;
	v17 =	vld [tilespmem:s26+$0x60]  }
0x8e: {  	v9 =	vbroadcast v9, $0x0;
	v10 =	vand.u32 $0x7D, v19;
	v19 =	vld [tilespmem:s25+$0xFFFFFF80];
	v25 =	vor.u32 v0, v8  }
0x8f: {  	v26 =	vld [tilespmem:s25+$0xFFFFFFC0];
	v32 =	vor.u32 v2, v14;
	v18 =	vadd.f32 v18, v6;
	v10 =	vbroadcast v10, $0x0  }
0x90: {  	v28 =	vld [tilespmem:s25+$0x0];
	[tilespmem:v20+s17+$0x0] =	vst.idx.msk $0xffff, v11;
	v20 =	vor.u32 v0, v9;
	v11 =	vbroadcast v21, $0x0;
	v16 =	vadd.f32 v16, v6  }
0x91: {  	[tilespmem:v22+s17+$0x0] =	vst.idx.msk $0xffff, v18;
	v21 =	vadd.f32 v23, v7;
	v18 =	vor.u32 v0, v10;
	v23 =	vld [tilespmem:s26+$0xFFFFFFE0]  }
0x92: {  	[tilespmem:v24+s17+$0x0] =	vst.idx.msk $0xffff, v16;
	v16 =	vor.u32 v0, v11;
	v24 =	vld [tilespmem:s26+$0x20];
	v17 =	vadd.f32 v17, v5  }
0x93: {  	v33 =	vor.u32 v2, v15;
	v19 =	vadd.f32 v19, v7;
	v29 =	vld [tilespmem:s26+$0xFFFFFFA0];
	[tilespmem:v25+s17+$0x0] =	vst.idx.msk $0xffff, v21  }
0x94: {  	v22 =	vadd.f32 v26, v7;
	v26 =	vor.u32 v1, v10;
	v31 =	vld [tilespmem:s25+$0x50];
	[tilespmem:v27+s17+$0x0] =	vst.idx.msk $0xffff, v17  }
0x95: {  	[tilespmem:v20+s17+$0x0] =	vst.idx.msk $0xffff, v19;
	v19 =	vadd.f32 v28, v7;
	v25 =	vor.u32 v1, v9;
	v34 =	vld [tilespmem:s26+$0x70]  }
0x96: {  	s28 =	simm.s32 $0x8;
	v21 =	vld [tilespmem:s25+$0xFFFFFF90];
	[tilespmem:v18+s17+$0x0] =	vst.idx.msk $0xffff, v22;
	v22 =	vor.u32 v1, v8;
	v18 =	vadd.f32 v23, v5  }
0x97: {  	v17 =	vmov s28;
	s28 =	simm.s32 $0x9;
	v20 =	vld [tilespmem:s25+$0xFFFFFFD0];
	[tilespmem:v16+s17+$0x0] =	vst.idx.msk $0xffff, v19;
	v19 =	vadd.f32 v24, v5;
	v24 =	vor.u32 v3, v12  }
0x98: {  	v17 =	vand.u32 $0x7C, v17;
	v23 =	vmov s28;
	s28 =	simm.s32 $0xA;
	[tilespmem:v30+s17+$0x0] =	vst.idx.msk $0xffff, v18;
	v16 =	vld [tilespmem:s25+$0x10];
	v29 =	vadd.f32 v29, v5  }
0x99: {  	v27 =	vmov s28;
	v12 =	vbroadcast v17, $0x0;
	s28 =	simm.s32 $0xB;
	v17 =	vld [tilespmem:s26+$0xFFFFFFF0];
	[tilespmem:v32+s17+$0x0] =	vst.idx.msk $0xffff, v19;
	v28 =	vadd.f32 v31, v6  }
0x9a: {  	v18 =	vor.u32 v1, v11;
	v30 =	vmov s28;
	s28 =	simm.s32 $0xC;
	[tilespmem:v33+s17+$0x0] =	vst.idx.msk $0xffff, v29;
	v19 =	vld [tilespmem:s26+$0x30];
	v29 =	vadd.f32 v34, v4  }
.LBB2_8:
0x9b: {  	p0 =	slt.u32 s28, $0x7C;
	v30 =	vand.u32 $0x7F, v30;
	v21 =	vadd.f32 v21, v6;
	[tilespmem:v22+s17+$0x0] =	vst.idx.msk $0xffff, v28;
	v22 =	vld [tilespmem:s26+$0xFFFFFFB0];
	v13 =	vor.u32 v3, v13;
	s26 =	smov.u32 s25;
	s25 =	sadd.s32 $0x100, s25  }
0x9c: {  	v14 =	vor.u32 v3, v14;
	v28 =	vld [tilespmem:s25+$0x40];
	v30 =	vbroadcast v30, $0x0;
	v20 =	vadd.f32 v20, v6;
	[tilespmem:v24+s17+$0x0] =	vst.idx.msk $0xffff, v29  }
0x9d: {  	v23 =	vand.u32 $0x7D, v23;
	v15 =	vor.u32 v3, v15;
	[tilespmem:v25+s17+$0x0] =	vst.idx.msk $0xffff, v21;
	v16 =	vadd.f32 v16, v6;
	v21 =	vld [tilespmem:s26+$0x60]  }
0x9e: {  	v25 =	vand.u32 $0x7E, v27;
	v24 =	vld [tilespmem:s25+$0xFFFFFF80];
	v27 =	vor.u32 v0, v30;
	[tilespmem:v26+s17+$0x0] =	vst.idx.msk $0xffff, v20;
	v17 =	vadd.f32 v17, v4  }
0x9f: {  	v23 =	vbroadcast v23, $0x0;
	v20 =	vld [tilespmem:s25+$0xFFFFFFC0];
	[tilespmem:v18+s17+$0x0] =	vst.idx.msk $0xffff, v16;
	v16 =	vor.u32 v2, v8;
	v18 =	vadd.f32 v19, v4  }
0xa0: {  	v25 =	vbroadcast v25, $0x0;
	v19 =	vor.u32 v0, v12;
	v26 =	vld [tilespmem:s25+$0x0];
	v22 =	vadd.f32 v22, v4;
	[tilespmem:v13+s17+$0x0] =	vst.idx.msk $0xffff, v17  }
0xa1: {  	v17 =	vor.u32 v0, v23;
	v13 =	vmov v10;
	v28 =	vadd.f32 v28, v7;
	v29 =	vld [tilespmem:s26+$0xFFFFFFE0];
	[tilespmem:v14+s17+$0x0] =	vst.idx.msk $0xffff, v18  }
0xa2: {  	v10 =	vmov v23;
	v18 =	vor.u32 v0, v25;
	v31 =	vld [tilespmem:s26+$0x20];
	v21 =	vadd.f32 v21, v5;
	[tilespmem:v15+s17+$0x0] =	vst.idx.msk $0xffff, v22  }
0xa3: {  	v32 =	vor.u32 v2, v13;
	v14 =	vmov v11;
	v22 =	vadd.f32 v24, v7;
	[tilespmem:v27+s17+$0x0] =	vst.idx.msk $0xffff, v28;
	v28 =	vld [tilespmem:s26+$0xFFFFFFA0]  }
0xa4: {  	v11 =	vmov v25;
	v34 =	vor.u32 v2, v14;
	v20 =	vadd.f32 v20, v7;
	v33 =	vld [tilespmem:s25+$0x50];
	[tilespmem:v16+s17+$0x0] =	vst.idx.msk $0xffff, v21  }
0xa5: {  	v35 =	vor.u32 v2, v9;
	v15 =	vmovc v9;
	v16 =	vmov s28;
	[tilespmem:v19+s17+$0x0] =	vst.idx.msk $0xffff, v22;
	v19 =	vadd.f32 v26, v7;
	v36 =	vld [tilespmem:s26+$0x70]  }
.Ltmp3:
0xa6: {  	s29 =	sadd.s32 $0x1, s28;
	v26 =	vand.u32 $0x7C, v16;
	v22 =	vor.u32 v1, v30;
	v21 =	vld [tilespmem:s25+$0xFFFFFF90];
	[tilespmem:v17+s17+$0x0] =	vst.idx.msk $0xffff, v20;
	v17 =	vadd.f32 v29, v5;
	(pc) =	sbr.rel @p0 .LBB2_8-.Ltmp3, $4  }
0xa7: {  	v23 =	vmov s29;
	s29 =	sadd.s32 $0x2, s28;
	v24 =	vor.u32 v3, v8;
	v8 =	vmovc v30;
	v20 =	vld [tilespmem:s25+$0xFFFFFFD0];
	[tilespmem:v18+s17+$0x0] =	vst.idx.msk $0xffff, v19;
	v18 =	vadd.f32 v31, v5  }
0xa8: {  	v25 =	vor.u32 v1, v12;
	v9 =	vmovc v12;
	v27 =	vmov s29;
	v16 =	vld [tilespmem:s25+$0x10];
	v19 =	vadd.f32 v28, v5;
	[tilespmem:v32+s17+$0x0] =	vst.idx.msk $0xffff, v17  }
0xa9: {  	s29 =	sadd.s32 $0x3, s28;
	v12 =	vbroadcast v26, $0x0;
	v26 =	vor.u32 v1, v10;
	v28 =	vadd.f32 v33, v6;
	v17 =	vld [tilespmem:s26+$0xFFFFFFF0];
	[tilespmem:v34+s17+$0x0] =	vst.idx.msk $0xffff, v18  }
0xaa: {  	s28 =	sadd.s32 $0x4, s28;
	v30 =	vmov s29;
	v18 =	vor.u32 v1, v11;
	[tilespmem:v35+s17+$0x0] =	vst.idx.msk $0xffff, v19;
	v19 =	vld [tilespmem:s26+$0x30];
	v29 =	vadd.f32 v36, v4  }
0xab: {  	v30 =	vand.u32 $0x7F, v30;
	s28 =	sadd.s32 $0x100, s25  }
0xac: {  	v23 =	vand.u32 $0x7D, v23;
	v31 =	vld [tilespmem:s28+$0x40];
	v30 =	vbroadcast v30, $0x0  }
0xad: {  	v27 =	vand.u32 $0x7E, v27;
	v32 =	vld [tilespmem:s28+$0xFFFFFFC0];
	v23 =	vbroadcast v23, $0x0  }
0xae: {  	v34 =	vld [tilespmem:s28+$0x0];
	v27 =	vbroadcast v27, $0x0;
	v33 =	vor.u32 v0, v30  }
0xaf: {  	v21 =	vadd.f32 v21, v6;
	[tilespmem:v22+s17+$0x0] =	vst.idx.msk $0xffff, v28;
	v39 =	vld [tilespmem:s28+$0xFFFFFF80];
	v40 =	vor.u32 v0, v23  }
0xb0: {  	[tilespmem:v24+s17+$0x0] =	vst.idx.msk $0xffff, v29;
	v20 =	vadd.f32 v20, v6;
	v41 =	vor.u32 v0, v27  }
0xb1: {  	v42 =	vor.u32 v0, v12;
	[tilespmem:v25+s17+$0x0] =	vst.idx.msk $0xffff, v21;
	v43 =	vadd.f32 v31, v7  }
0xb2: {  	[tilespmem:v26+s17+$0x0] =	vst.idx.msk $0xffff, v20;
	v44 =	vadd.f32 v32, v7  }
0xb3: {  	v45 =	vld [tilespmem:s26+$0xFFFFFFB0];
	v13 =	vor.u32 v3, v13;
	v46 =	vadd.f32 v34, v7;
	[tilespmem:v33+s17+$0x0] =	vst.idx.msk $0xffff, v43  }
0xb4: {  	v14 =	vor.u32 v3, v14;
	v47 =	vadd.f32 v39, v7;
	[tilespmem:v40+s17+$0x0] =	vst.idx.msk $0xffff, v44;
	v48 =	vld [tilespmem:s28+$0x50]  }
0xb5: {  	v15 =	vor.u32 v3, v15;
	v16 =	vadd.f32 v16, v6;
	[tilespmem:v41+s17+$0x0] =	vst.idx.msk $0xffff, v46;
	v20 =	vld [tilespmem:s28+$0xFFFFFFD0]  }
0xb6: {  	v17 =	vadd.f32 v17, v4;
	v49 =	vor.u32 v1, v30;
	[tilespmem:v42+s17+$0x0] =	vst.idx.msk $0xffff, v47;
	v50 =	vld [tilespmem:s28+$0x10]  }
0xb7: {  	v53 =	vor.u32 v1, v23;
	[tilespmem:v18+s17+$0x0] =	vst.idx.msk $0xffff, v16;
	v51 =	vadd.f32 v19, v4;
	v52 =	vld [tilespmem:s28+$0xFFFFFF90]  }
0xb8: {  	v54 =	vld [tilespmem:s25+$0x60];
	v55 =	vor.u32 v1, v27;
	v25 =	vadd.f32 v45, v4;
	[tilespmem:v13+s17+$0x0] =	vst.idx.msk $0xffff, v17  }
0xb9: {  	v57 =	vor.u32 v1, v12;
	v56 =	vld [tilespmem:s25+$0xFFFFFFE0];
	[tilespmem:v14+s17+$0x0] =	vst.idx.msk $0xffff, v51;
	v58 =	vadd.f32 v48, v6  }
0xba: {  	v59 =	vor.u32 v2, v8;
	v60 =	vld [tilespmem:s25+$0x20];
	[tilespmem:v15+s17+$0x0] =	vst.idx.msk $0xffff, v25;
	v61 =	vadd.f32 v20, v6  }
0xbb: {  	v63 =	vor.u32 v2, v10;
	v62 =	vld [tilespmem:s25+$0xFFFFFFA0];
	v21 =	vadd.f32 v50, v6;
	[tilespmem:v49+s17+$0x0] =	vst.idx.msk $0xffff, v58  }
0xbc: {  	v28 =	vor.u32 v2, v11;
	v29 =	vadd.f32 v52, v6;
	[tilespmem:v53+s17+$0x0] =	vst.idx.msk $0xffff, v61;
	v31 =	vld [tilespmem:s28+$0x60]  }
0xbd: {  	v32 =	vadd.f32 v54, v5;
	v33 =	vor.u32 v2, v9;
	[tilespmem:v55+s17+$0x0] =	vst.idx.msk $0xffff, v21;
	v34 =	vld [tilespmem:s28+$0xFFFFFFE0]  }
0xbe: {  	v36 =	vor.u32 v2, v30;
	v35 =	vadd.f32 v56, v5;
	[tilespmem:v57+s17+$0x0] =	vst.idx.msk $0xffff, v29;
	v37 =	vld [tilespmem:s28+$0x20]  }
0xbf: {  	[tilespmem:v59+s17+$0x0] =	vst.idx.msk $0xffff, v32;
	v40 =	vor.u32 v2, v23;
	v38 =	vadd.f32 v60, v5;
	v39 =	vld [tilespmem:s28+$0xFFFFFFA0]  }
0xc0: {  	v41 =	vor.u32 v2, v27;
	v22 =	vld [tilespmem:s25+$0x70];
	[tilespmem:v63+s17+$0x0] =	vst.idx.msk $0xffff, v35;
	v20 =	vadd.f32 v62, v5  }
0xc1: {  	v44 =	vor.u32 v2, v12;
	v42 =	vld [tilespmem:s25+$0xFFFFFFF0];
	[tilespmem:v28+s17+$0x0] =	vst.idx.msk $0xffff, v38;
	v43 =	vadd.f32 v31, v5  }
0xc2: {  	v45 =	vor.u32 v3, v8;
	v46 =	vld [tilespmem:s25+$0x30];
	[tilespmem:v33+s17+$0x0] =	vst.idx.msk $0xffff, v20;
	v7 =	vadd.f32 v34, v5  }
0xc3: {  	v47 =	vor.u32 v3, v10;
	v19 =	vld [tilespmem:s25+$0xFFFFFFB0];
	v48 =	vadd.f32 v37, v5;
	[tilespmem:v36+s17+$0x0] =	vst.idx.msk $0xffff, v43  }
0xc4: {  	v49 =	vor.u32 v3, v11;
	v5 =	vadd.f32 v39, v5;
	[tilespmem:v40+s17+$0x0] =	vst.idx.msk $0xffff, v7;
	v50 =	vld [tilespmem:s28+$0x70]  }
0xc5: {  	v51 =	vadd.f32 v22, v4;
	v52 =	vor.u32 v3, v9;
	[tilespmem:v41+s17+$0x0] =	vst.idx.msk $0xffff, v48;
	v53 =	vld [tilespmem:s28+$0xFFFFFFF0]  }
0xc6: {  	v55 =	vor.u32 v3, v30;
	v54 =	vadd.f32 v42, v4;
	[tilespmem:v44+s17+$0x0] =	vst.idx.msk $0xffff, v5;
	v5 =	vld [tilespmem:s28+$0x30]  }
0xc7: {  	[tilespmem:v45+s17+$0x0] =	vst.idx.msk $0xffff, v51;
	v58 =	vor.u32 v3, v23;
	v56 =	vadd.f32 v46, v4;
	v57 =	vld [tilespmem:s28+$0xFFFFFFB0]  }
0xc8: {  	v60 =	vor.u32 v3, v27;
	[tilespmem:v47+s17+$0x0] =	vst.idx.msk $0xffff, v54;
	v59 =	vadd.f32 v19, v4  }
0xc9: {  	v62 =	vor.u32 v3, v12;
	[tilespmem:v49+s17+$0x0] =	vst.idx.msk $0xffff, v56;
	v61 =	vadd.f32 v50, v4  }
0xca: {  	[tilespmem:v52+s17+$0x0] =	vst.idx.msk $0xffff, v59;
	v63 =	vadd.f32 v53, v4  }
0xcb: {  	s31 =	sshll.u32 s24, $0x13;
	v5 =	vadd.f32 v5, v4;
	[tilespmem:v55+s17+$0x0] =	vst.idx.msk $0xffff, v61  }
0xcc: {  	s24 =	sadd.s32 $0x1, s24;
	s25 =	sor.u32 s4, s31;
	v4 =	vadd.f32 v57, v4;
	[tilespmem:v58+s17+$0x0] =	vst.idx.msk $0xffff, v63  }
0xcd: {  	p0 =	sne.s32 s24, $0x64;
	s25 =	sshrl.u32 s25, $0x3;
	[tilespmem:v60+s17+$0x0] =	vst.idx.msk $0xffff, v5  }
.Ltmp4:
0xce: {  	s25 =	sadd.s32 s2, s25;
	[tilespmem:v62+s17+$0x0] =	vst.idx.msk $0xffff, v4;
	(pc) =	sbr.rel @p0 .LBB2_2-.Ltmp4, $4  }
0xcf: {  	[hbm4b:s25+s10] =	stream.strided.scatter [tilespmem:s17], [sflag:$0x3], $0x2000, s11, s10, $0x38;
	[tilespmem:$0x11600] =	vst v63  }
0xd0: {  	_ =	swait.ge [sflag:s18], $0x2000  }
0xd1: {  	[sflag:s18] =	ssyncset.done $0x0  }
0xd2: {  	[sflag:s18] =	ssyncadd.s32 $0xFFFFE000  }
0xd3: {  	s24 =	simm.s32 $0x3  }
0xd4: {  	v4 =	vmov s24  }
0xd5: {  	v7 =	vld [tilespmem:$0x115C0];
	s25 =	simm.s32 $0x8480;
	v4 =	vand.u32 $0x7F, v4  }
0xd6: {  	s31 =	simm.s32 $0x1;
	v8 =	vld [tilespmem:s25+$0x40];
	v12 =	vbroadcast v4, $0x0  }
0xd7: {  	s26 =	simm.s32 $0x2;
	v4 =	vmov s31  }
0xd8: {  	v6 =	vld [tilespmem:$0x115D0];
	v9 =	vmov s26;
	v4 =	vand.u32 $0x7D, v4;
	v10 =	vor.u32 v0, v12  }
0xd9: {  	s28 =	simm.s32 $0x0;
	v11 =	vld [tilespmem:s25+$0xFFFFFFC0];
	v9 =	vand.u32 $0x7E, v9;
	v13 =	vbroadcast v4, $0x0  }
0xda: {  	v5 =	vld [tilespmem:$0x115E0];
	v15 =	vmov s28;
	v14 =	vbroadcast v9, $0x0  }
0xdb: {  	v16 =	vld [tilespmem:s25+$0x0];
	v9 =	vand.u32 $0x7C, v15;
	v8 =	vadd.f32 v8, v7;
	v17 =	vor.u32 v0, v13  }
0xdc: {  	v15 =	vbroadcast v9, $0x0;
	v9 =	vld [tilespmem:s25+$0xFFFFFF80]  }
0xdd: {  	v4 =	vld [tilespmem:$0x115F0];
	v18 =	vor.u32 v0, v14;
	[tilespmem:v10+s19+$0x0] =	vst.idx.msk $0xffff, v8  }
0xde: {  	v8 =	vor.u32 v0, v15;
	v10 =	vadd.f32 v11, v7;
	v11 =	vld [tilespmem:s25+$0x50];
	_ =	sdelay $0x1  }
0xdf: {  	v16 =	vadd.f32 v16, v7;
	[tilespmem:v17+s19+$0x0] =	vst.idx.msk $0xffff, v10;
	v10 =	vor.u32 v1, v12  }
0xe0: {  	s26 =	simm.s32 $0x5;
	s31 =	simm.s32 $0x6;
	v9 =	vadd.f32 v9, v7;
	v17 =	vld [tilespmem:s25+$0xFFFFFFD0]  }
0xe1: {  	s29 =	simm.s32 $0x4;
	s30 =	simm.s32 $0x7;
	v19 =	vmov s26;
	v21 =	vmov s31;
	v22 =	vor.u32 v1, v14;
	[tilespmem:v18+s19+$0x0] =	vst.idx.msk $0xffff, v16  }
0xe2: {  	v16 =	vmov s29;
	v18 =	vld [tilespmem:s25+$0x10];
	[tilespmem:v8+s19+$0x0] =	vst.idx.msk $0xffff, v9;
	v8 =	vadd.f32 v11, v6;
	v11 =	vmov s30  }
0xe3: {  	s24 =	simm.s32 $0x8580;
	v20 =	vor.u32 v1, v13;
	v9 =	vand.u32 $0x7C, v16;
	v16 =	vld [tilespmem:s25+$0xFFFFFF90];
	v11 =	vand.u32 $0x7F, v11  }
0xe4: {  	v23 =	vld [tilespmem:s24+$0x40];
	v21 =	vand.u32 $0x7E, v21;
	v27 =	vor.u32 v2, v12;
	[tilespmem:v10+s19+$0x0] =	vst.idx.msk $0xffff, v8;
	v8 =	vbroadcast v11, $0x0  }
0xe5: {  	v32 =	vor.u32 v2, v14;
	v24 =	vor.u32 v1, v15;
	v11 =	vadd.f32 v17, v6;
	v17 =	vld [tilespmem:s25+$0x60]  }
0xe6: {  	v9 =	vbroadcast v9, $0x0;
	v10 =	vand.u32 $0x7D, v19;
	v19 =	vld [tilespmem:s24+$0xFFFFFF80];
	v25 =	vor.u32 v0, v8  }
0xe7: {  	v26 =	vld [tilespmem:s24+$0xFFFFFFC0];
	v33 =	vor.u32 v2, v15;
	v18 =	vadd.f32 v18, v6;
	v10 =	vbroadcast v10, $0x0  }
0xe8: {  	v28 =	vld [tilespmem:s24+$0x0];
	[tilespmem:v20+s19+$0x0] =	vst.idx.msk $0xffff, v11;
	v20 =	vor.u32 v0, v9;
	v11 =	vbroadcast v21, $0x0;
	v16 =	vadd.f32 v16, v6  }
0xe9: {  	[tilespmem:v22+s19+$0x0] =	vst.idx.msk $0xffff, v18;
	v21 =	vadd.f32 v23, v7;
	v18 =	vor.u32 v0, v10;
	v23 =	vld [tilespmem:s25+$0xFFFFFFE0]  }
0xea: {  	[tilespmem:v24+s19+$0x0] =	vst.idx.msk $0xffff, v16;
	v16 =	vor.u32 v0, v11;
	v24 =	vld [tilespmem:s25+$0x20];
	v17 =	vadd.f32 v17, v5  }
0xeb: {  	v30 =	vor.u32 v2, v13;
	v19 =	vadd.f32 v19, v7;
	v29 =	vld [tilespmem:s25+$0xFFFFFFA0];
	[tilespmem:v25+s19+$0x0] =	vst.idx.msk $0xffff, v21  }
0xec: {  	v22 =	vadd.f32 v26, v7;
	v26 =	vor.u32 v1, v10;
	v31 =	vld [tilespmem:s24+$0x50];
	[tilespmem:v27+s19+$0x0] =	vst.idx.msk $0xffff, v17  }
0xed: {  	[tilespmem:v20+s19+$0x0] =	vst.idx.msk $0xffff, v19;
	v19 =	vadd.f32 v28, v7;
	v25 =	vor.u32 v1, v9;
	v34 =	vld [tilespmem:s25+$0x70]  }
0xee: {  	s28 =	simm.s32 $0x8;
	v21 =	vld [tilespmem:s24+$0xFFFFFF90];
	[tilespmem:v18+s19+$0x0] =	vst.idx.msk $0xffff, v22;
	v22 =	vor.u32 v1, v8;
	v18 =	vadd.f32 v23, v5  }
0xef: {  	s29 =	simm.s32 $0x9;
	v17 =	vmov s28;
	v20 =	vld [tilespmem:s24+$0xFFFFFFD0];
	[tilespmem:v16+s19+$0x0] =	vst.idx.msk $0xffff, v19;
	v19 =	vadd.f32 v24, v5;
	v24 =	vor.u32 v3, v12  }
0xf0: {  	s30 =	simm.s32 $0xA;
	v23 =	vmov s29;
	v17 =	vand.u32 $0x7C, v17;
	[tilespmem:v30+s19+$0x0] =	vst.idx.msk $0xffff, v18;
	v16 =	vld [tilespmem:s24+$0x10];
	v29 =	vadd.f32 v29, v5  }
0xf1: {  	s31 =	simm.s32 $0xB;
	v27 =	vmov s30;
	v12 =	vbroadcast v17, $0x0;
	v17 =	vld [tilespmem:s25+$0xFFFFFFF0];
	[tilespmem:v32+s19+$0x0] =	vst.idx.msk $0xffff, v19;
	v28 =	vadd.f32 v31, v6  }
0xf2: {  	s26 =	simm.s32 $0xC;
	v30 =	vmov s31;
	v18 =	vor.u32 v1, v11;
	[tilespmem:v33+s19+$0x0] =	vst.idx.msk $0xffff, v29;
	v19 =	vld [tilespmem:s25+$0x30];
	v29 =	vadd.f32 v34, v4  }
.LBB2_11:
0xf3: {  	p0 =	slt.u32 s26, $0x7C;
	v30 =	vand.u32 $0x7F, v30;
	v21 =	vadd.f32 v21, v6;
	[tilespmem:v22+s19+$0x0] =	vst.idx.msk $0xffff, v28;
	v22 =	vld [tilespmem:s25+$0xFFFFFFB0];
	v13 =	vor.u32 v3, v13;
	s25 =	smov.u32 s24;
	s24 =	sadd.s32 $0x100, s24  }
0xf4: {  	v14 =	vor.u32 v3, v14;
	v28 =	vld [tilespmem:s24+$0x40];
	v30 =	vbroadcast v30, $0x0;
	v20 =	vadd.f32 v20, v6;
	[tilespmem:v24+s19+$0x0] =	vst.idx.msk $0xffff, v29  }
0xf5: {  	v23 =	vand.u32 $0x7D, v23;
	v15 =	vor.u32 v3, v15;
	[tilespmem:v25+s19+$0x0] =	vst.idx.msk $0xffff, v21;
	v16 =	vadd.f32 v16, v6;
	v21 =	vld [tilespmem:s25+$0x60]  }
0xf6: {  	v25 =	vand.u32 $0x7E, v27;
	v24 =	vld [tilespmem:s24+$0xFFFFFF80];
	v27 =	vor.u32 v0, v30;
	[tilespmem:v26+s19+$0x0] =	vst.idx.msk $0xffff, v20;
	v17 =	vadd.f32 v17, v4  }
0xf7: {  	v23 =	vbroadcast v23, $0x0;
	v20 =	vld [tilespmem:s24+$0xFFFFFFC0];
	[tilespmem:v18+s19+$0x0] =	vst.idx.msk $0xffff, v16;
	v16 =	vor.u32 v2, v8;
	v18 =	vadd.f32 v19, v4  }
0xf8: {  	v25 =	vbroadcast v25, $0x0;
	v19 =	vor.u32 v0, v12;
	v26 =	vld [tilespmem:s24+$0x0];
	v22 =	vadd.f32 v22, v4;
	[tilespmem:v13+s19+$0x0] =	vst.idx.msk $0xffff, v17  }
0xf9: {  	v17 =	vor.u32 v0, v23;
	v13 =	vmov v10;
	v28 =	vadd.f32 v28, v7;
	v29 =	vld [tilespmem:s25+$0xFFFFFFE0];
	[tilespmem:v14+s19+$0x0] =	vst.idx.msk $0xffff, v18  }
0xfa: {  	v10 =	vmov v23;
	v18 =	vor.u32 v0, v25;
	v31 =	vld [tilespmem:s25+$0x20];
	v21 =	vadd.f32 v21, v5;
	[tilespmem:v15+s19+$0x0] =	vst.idx.msk $0xffff, v22  }
0xfb: {  	v32 =	vor.u32 v2, v13;
	v14 =	vmov v11;
	v22 =	vadd.f32 v24, v7;
	[tilespmem:v27+s19+$0x0] =	vst.idx.msk $0xffff, v28;
	v28 =	vld [tilespmem:s25+$0xFFFFFFA0]  }
0xfc: {  	v11 =	vmov v25;
	v34 =	vor.u32 v2, v14;
	v20 =	vadd.f32 v20, v7;
	v33 =	vld [tilespmem:s24+$0x50];
	[tilespmem:v16+s19+$0x0] =	vst.idx.msk $0xffff, v21  }
0xfd: {  	v35 =	vor.u32 v2, v9;
	v15 =	vmovc v9;
	v16 =	vmov s26;
	[tilespmem:v19+s19+$0x0] =	vst.idx.msk $0xffff, v22;
	v19 =	vadd.f32 v26, v7;
	v36 =	vld [tilespmem:s25+$0x70]  }
.Ltmp5:
0xfe: {  	s28 =	sadd.s32 $0x1, s26;
	v26 =	vand.u32 $0x7C, v16;
	v22 =	vor.u32 v1, v30;
	v21 =	vld [tilespmem:s24+$0xFFFFFF90];
	[tilespmem:v17+s19+$0x0] =	vst.idx.msk $0xffff, v20;
	v17 =	vadd.f32 v29, v5;
	(pc) =	sbr.rel @p0 .LBB2_11-.Ltmp5, $4  }
0xff: {  	v23 =	vmov s28;
	s28 =	sadd.s32 $0x2, s26;
	v24 =	vor.u32 v3, v8;
	v8 =	vmovc v30;
	v20 =	vld [tilespmem:s24+$0xFFFFFFD0];
	[tilespmem:v18+s19+$0x0] =	vst.idx.msk $0xffff, v19;
	v18 =	vadd.f32 v31, v5  }
0x100: {  	v25 =	vor.u32 v1, v12;
	v9 =	vmovc v12;
	v27 =	vmov s28;
	v16 =	vld [tilespmem:s24+$0x10];
	v19 =	vadd.f32 v28, v5;
	[tilespmem:v32+s19+$0x0] =	vst.idx.msk $0xffff, v17  }
0x101: {  	s28 =	sadd.s32 $0x3, s26;
	v12 =	vbroadcast v26, $0x0;
	v26 =	vor.u32 v1, v10;
	v28 =	vadd.f32 v33, v6;
	v17 =	vld [tilespmem:s25+$0xFFFFFFF0];
	[tilespmem:v34+s19+$0x0] =	vst.idx.msk $0xffff, v18  }
0x102: {  	s26 =	sadd.s32 $0x4, s26;
	v30 =	vmov s28;
	v18 =	vor.u32 v1, v11;
	[tilespmem:v35+s19+$0x0] =	vst.idx.msk $0xffff, v19;
	v19 =	vld [tilespmem:s25+$0x30];
	v29 =	vadd.f32 v36, v4  }
0x103: {  	v30 =	vand.u32 $0x7F, v30;
	s26 =	sadd.s32 $0x100, s24  }
0x104: {  	v23 =	vand.u32 $0x7D, v23;
	v31 =	vld [tilespmem:s26+$0x40];
	v30 =	vbroadcast v30, $0x0  }
0x105: {  	v27 =	vand.u32 $0x7E, v27;
	v32 =	vld [tilespmem:s26+$0xFFFFFFC0];
	v23 =	vbroadcast v23, $0x0  }
0x106: {  	v34 =	vld [tilespmem:s26+$0x0];
	v27 =	vbroadcast v27, $0x0;
	v33 =	vor.u32 v0, v30  }
0x107: {  	v21 =	vadd.f32 v21, v6;
	[tilespmem:v22+s19+$0x0] =	vst.idx.msk $0xffff, v28;
	v39 =	vld [tilespmem:s26+$0xFFFFFF80];
	v40 =	vor.u32 v0, v23  }
0x108: {  	[tilespmem:v24+s19+$0x0] =	vst.idx.msk $0xffff, v29;
	v20 =	vadd.f32 v20, v6;
	v41 =	vor.u32 v0, v27  }
0x109: {  	v42 =	vor.u32 v0, v12;
	[tilespmem:v25+s19+$0x0] =	vst.idx.msk $0xffff, v21;
	v43 =	vadd.f32 v31, v7  }
0x10a: {  	[tilespmem:v26+s19+$0x0] =	vst.idx.msk $0xffff, v20;
	v44 =	vadd.f32 v32, v7  }
0x10b: {  	v45 =	vld [tilespmem:s25+$0xFFFFFFB0];
	v13 =	vor.u32 v3, v13;
	v46 =	vadd.f32 v34, v7;
	[tilespmem:v33+s19+$0x0] =	vst.idx.msk $0xffff, v43  }
0x10c: {  	v14 =	vor.u32 v3, v14;
	v47 =	vadd.f32 v39, v7;
	[tilespmem:v40+s19+$0x0] =	vst.idx.msk $0xffff, v44;
	v48 =	vld [tilespmem:s26+$0x50]  }
0x10d: {  	v15 =	vor.u32 v3, v15;
	v16 =	vadd.f32 v16, v6;
	[tilespmem:v41+s19+$0x0] =	vst.idx.msk $0xffff, v46;
	v20 =	vld [tilespmem:s26+$0xFFFFFFD0]  }
0x10e: {  	v17 =	vadd.f32 v17, v4;
	v49 =	vor.u32 v1, v30;
	[tilespmem:v42+s19+$0x0] =	vst.idx.msk $0xffff, v47;
	v50 =	vld [tilespmem:s26+$0x10]  }
0x10f: {  	v53 =	vor.u32 v1, v23;
	[tilespmem:v18+s19+$0x0] =	vst.idx.msk $0xffff, v16;
	v51 =	vadd.f32 v19, v4;
	v52 =	vld [tilespmem:s26+$0xFFFFFF90]  }
0x110: {  	v54 =	vld [tilespmem:s24+$0x60];
	v55 =	vor.u32 v1, v27;
	v25 =	vadd.f32 v45, v4;
	[tilespmem:v13+s19+$0x0] =	vst.idx.msk $0xffff, v17  }
0x111: {  	v57 =	vor.u32 v1, v12;
	v56 =	vld [tilespmem:s24+$0xFFFFFFE0];
	[tilespmem:v14+s19+$0x0] =	vst.idx.msk $0xffff, v51;
	v58 =	vadd.f32 v48, v6  }
0x112: {  	v59 =	vor.u32 v2, v8;
	v60 =	vld [tilespmem:s24+$0x20];
	[tilespmem:v15+s19+$0x0] =	vst.idx.msk $0xffff, v25;
	v61 =	vadd.f32 v20, v6  }
0x113: {  	v63 =	vor.u32 v2, v10;
	v62 =	vld [tilespmem:s24+$0xFFFFFFA0];
	v21 =	vadd.f32 v50, v6;
	[tilespmem:v49+s19+$0x0] =	vst.idx.msk $0xffff, v58  }
0x114: {  	v28 =	vor.u32 v2, v11;
	v29 =	vadd.f32 v52, v6;
	[tilespmem:v53+s19+$0x0] =	vst.idx.msk $0xffff, v61;
	v31 =	vld [tilespmem:s26+$0x60]  }
0x115: {  	v32 =	vadd.f32 v54, v5;
	v33 =	vor.u32 v2, v9;
	[tilespmem:v55+s19+$0x0] =	vst.idx.msk $0xffff, v21;
	v34 =	vld [tilespmem:s26+$0xFFFFFFE0]  }
0x116: {  	v36 =	vor.u32 v2, v30;
	v35 =	vadd.f32 v56, v5;
	[tilespmem:v57+s19+$0x0] =	vst.idx.msk $0xffff, v29;
	v37 =	vld [tilespmem:s26+$0x20]  }
0x117: {  	[tilespmem:v59+s19+$0x0] =	vst.idx.msk $0xffff, v32;
	v40 =	vor.u32 v2, v23;
	v38 =	vadd.f32 v60, v5;
	v39 =	vld [tilespmem:s26+$0xFFFFFFA0]  }
0x118: {  	v41 =	vor.u32 v2, v27;
	v22 =	vld [tilespmem:s24+$0x70];
	[tilespmem:v63+s19+$0x0] =	vst.idx.msk $0xffff, v35;
	v20 =	vadd.f32 v62, v5  }
0x119: {  	v44 =	vor.u32 v2, v12;
	v42 =	vld [tilespmem:s24+$0xFFFFFFF0];
	[tilespmem:v28+s19+$0x0] =	vst.idx.msk $0xffff, v38;
	v43 =	vadd.f32 v31, v5  }
0x11a: {  	v45 =	vor.u32 v3, v8;
	v46 =	vld [tilespmem:s24+$0x30];
	[tilespmem:v33+s19+$0x0] =	vst.idx.msk $0xffff, v20;
	v7 =	vadd.f32 v34, v5  }
0x11b: {  	v47 =	vor.u32 v3, v10;
	v19 =	vld [tilespmem:s24+$0xFFFFFFB0];
	v48 =	vadd.f32 v37, v5;
	[tilespmem:v36+s19+$0x0] =	vst.idx.msk $0xffff, v43  }
0x11c: {  	v49 =	vor.u32 v3, v11;
	v5 =	vadd.f32 v39, v5;
	[tilespmem:v40+s19+$0x0] =	vst.idx.msk $0xffff, v7;
	v50 =	vld [tilespmem:s26+$0x70]  }
0x11d: {  	v51 =	vadd.f32 v22, v4;
	v52 =	vor.u32 v3, v9;
	[tilespmem:v41+s19+$0x0] =	vst.idx.msk $0xffff, v48;
	v53 =	vld [tilespmem:s26+$0xFFFFFFF0]  }
0x11e: {  	v55 =	vor.u32 v3, v30;
	v54 =	vadd.f32 v42, v4;
	[tilespmem:v44+s19+$0x0] =	vst.idx.msk $0xffff, v5;
	v5 =	vld [tilespmem:s26+$0x30]  }
0x11f: {  	[tilespmem:v45+s19+$0x0] =	vst.idx.msk $0xffff, v51;
	v58 =	vor.u32 v3, v23;
	v56 =	vadd.f32 v46, v4;
	v57 =	vld [tilespmem:s26+$0xFFFFFFB0]  }
0x120: {  	v60 =	vor.u32 v3, v27;
	[tilespmem:v47+s19+$0x0] =	vst.idx.msk $0xffff, v54;
	v59 =	vadd.f32 v19, v4  }
0x121: {  	v62 =	vor.u32 v3, v12;
	[tilespmem:v49+s19+$0x0] =	vst.idx.msk $0xffff, v56;
	v61 =	vadd.f32 v50, v4  }
0x122: {  	[tilespmem:v52+s19+$0x0] =	vst.idx.msk $0xffff, v59;
	v63 =	vadd.f32 v53, v4  }
0x123: {  	v5 =	vadd.f32 v5, v4;
	[tilespmem:v55+s19+$0x0] =	vst.idx.msk $0xffff, v61  }
0x124: {  	v4 =	vadd.f32 v57, v4;
	[tilespmem:v58+s19+$0x0] =	vst.idx.msk $0xffff, v63  }
0x125: {  	[tilespmem:v60+s19+$0x0] =	vst.idx.msk $0xffff, v5  }
0x126: {  	s23 =	sadd.s32 $0x1, s23;
	[tilespmem:v62+s19+$0x0] =	vst.idx.msk $0xffff, v4  }
0x127: {  	[hbm4b:s8+s10] =	stream.strided.scatter [tilespmem:s19], [sflag:$0x4], $0x2000, s11, s10, $0x38;
	[tilespmem:$0x11600] =	vst v63  }
0x128: {  	p0 =	sne.s32 s23, s9;
	_ =	swait.ge [sflag:s20], $0x2000  }
.Ltmp6:
0x129: {  	[sflag:s20] =	ssyncset.done $0x0;
	(pc) =	sbr.rel @p0 .LBB2_1-.Ltmp6, $4  }
0x12a: {  	[sflag:s20] =	ssyncadd.s32 $0xFFFFE000  }
0x12b: {  	_ =	swait.ge [sflag:s21], $0x2000  }
0x12c: {  	[sflag:s21] =	ssyncset.done $0x0  }
0x12d: {  	[sflag:s21] =	ssyncadd.s32 $0xFFFFE000  }
0x12e: {  	_ =	sfence.sel $0x180000  }
0x12f: {  	[bflag:$0x0] =	sbarrier.arrive $0xFFFF  }
0x130: {  	p0 =	sne.s32 s1, $0x0;
	_ =	strace $0x90000047  }
0x131: {  	s0 =	sadd.s32 @!p0 $0x100000, s0;
	[bflag:$0x2] =	sbarrier.arrive $0xFFFF  }
0x132: {  	[sflag:s0] =	ssyncadd.tile.s32 @!p0 $0x1;
	_ =	shalt  }
.Lfunc_end2:
_tile_overlayer_lowered:
.L_overlay_start_2:
0x133: {  	(tag) =	ssettag $0x2  }
0x134: {  	s0 =	rddreg [dreg:$0x0];
	s2 =	stileid.u32  }
0x135: {  	s1 =	rddreg [dreg:$0x1];
	p0 =	sne.s32 s2, $0x0  }
0x136: {  	s3 =	rddreg [dreg:$0x2];
	[bflag:$0x3] =	sbarrier.arrive $0xFFFF;
	s2 =	simm.s32 @!p0 $0x1C05  }
0x137: {  	[timem:s3], [sflag:s2] =	dma.local @!p0 [hbm:s0], s1  }
0x138: {  	s0 =	simm.s32 @!p0 $0x5  }
0x139: {  	_ =	swait.ge @!p0 [sflag:s0], s1  }
0x13a: {  	s1 =	ssub.s32 @!p0 $0x0, s1;
	[sflag:s0] =	ssyncset.done @!p0 $0x0  }
0x13b: {  	[sflag:s0] =	ssyncadd.s32 @!p0 s1  }
0x13c: {  	[bflag:$0x3] =	sbarrier.arrive $0xFFFF  }
0x13d: {  	_ =	shalt  }

</sc_bundles>
